<compile_context>
chip_gen: v7x
topology: tpu7x:2x2x1
jax: 0.10.2.dev20260603
libtpu: 0.0.44.dev20260713+nightly
codegen_flags: <defaults>
</compile_context>

<pallas_src>
import jax
import jax.numpy as jnp
from jax import lax
from jax.experimental import pallas as pl
from jax.experimental.pallas import tpu as pltpu
from jax.experimental.pallas import tpu_sc as plsc

N_NODES = 256
T_IN = 12
T_OUT = 24
N_HEADS = 4
N_CH = 2
BATCH = 4
NC2 = N_NODES * N_CH
K_FEAT = T_IN * N_HEADS
M_OUT = T_OUT - T_IN

_NW = 32
_UNITS_PER_W = BATCH * (NC2 // 16) // _NW
_W_OFF = 2 * N_NODES * N_HEADS


def _sc_body(x_hbm, small_hbm, out_hbm, x_v, small_v, z_v, sem_x, sem_w):
    wid = lax.axis_index("s") * 2 + lax.axis_index("c")
    b = wid // 8
    g0 = (wid % 8) * _UNITS_PER_W

    cp_x = pltpu.async_copy(x_hbm.at[b], x_v, sem_x)
    cp_s = pltpu.async_copy(small_hbm, small_v, sem_w)
    cp_x.wait()
    cp_s.wait()

    @pl.when(wid % 8 == 0)
    def _():
        pltpu.sync_copy(x_v, out_hbm.at[pl.ds(b * T_OUT, T_IN), :])

    iota = lax.iota(jnp.int32, 16)
    lane_c = iota & 1
    lane = [jnp.full((16,), v, jnp.int32) for v in range(M_OUT)]

    def splat(vec, m):
        return jnp.take_along_axis(vec, lane[m], axis=0)

    brow = small_v[pl.ds(_W_OFF + K_FEAT * 16, 16)]

    def pbody(p, carry):
        jmc, aidx, sidx, ucol = [], [], [], []
        for q in range(2):
            g = g0 + 2 * p + q
            jvec = g * 8 + (iota >> 1)
            jm = (jvec + N_NODES - 1) & (N_NODES - 1)
            jmc.append(jm * 2 + lane_c)
            aidx.append(jm * N_HEADS)
            sidx.append((jvec + N_NODES) * N_HEADS)
            ucol.append(g * 16 + iota)

        def tbody(t, accs):
            accs = list(accs)
            t_idx = jnp.full((16,), 1, jnp.int32) * t
            u = [plsc.load_gather(x_v, [t_idx, ucol[q]]) for q in range(2)]
            um = [plsc.load_gather(x_v, [t_idx, jmc[q]]) for q in range(2)]
            for h in range(N_HEADS):
                wrow = plsc.load_gather(
                    small_v,
                    [t_idx * (N_HEADS * 16) + (_W_OFF + h * 16) + iota])
                f = []
                for q in range(2):
                    a_w = plsc.load_gather(small_v, [aidx[q] + h])
                    s_w = plsc.load_gather(small_v, [sidx[q] + h])
                    f.append(a_w * um[q] + s_w * u[q])
                for m in range(M_OUT):
                    wv = splat(wrow, m)
                    accs[m] = accs[m] + wv * f[0]
                    accs[M_OUT + m] = accs[M_OUT + m] + wv * f[1]
            return tuple(accs)

        acc = lax.fori_loop(
            0, T_IN, tbody,
            tuple(jnp.zeros((16,), jnp.float32) for _ in range(2 * M_OUT)))
        for q in range(2):
            zcol = (2 * p + q) * 16 + iota
            for m in range(M_OUT):
                z = jnp.maximum(acc[q * M_OUT + m] + splat(brow, m), 0.0)
                plsc.store_scatter(z_v, [lane[m], zcol], z)
        return carry

    lax.fori_loop(0, _UNITS_PER_W // 2, pbody, jnp.int32(0))

    pltpu.sync_copy(
        z_v, out_hbm.at[pl.ds(b * T_OUT + T_IN, M_OUT),
                        pl.ds(g0 * 16, _UNITS_PER_W * 16)])


@jax.jit
def _run(x3, small):
    mesh = plsc.VectorSubcoreMesh(core_axis_name="c", subcore_axis_name="s")
    fn = pl.kernel(
        _sc_body,
        out_type=jax.ShapeDtypeStruct((BATCH * T_OUT, NC2), jnp.float32),
        scratch_types=[
            pltpu.VMEM((T_IN, NC2), jnp.float32),
            pltpu.VMEM((_W_OFF + K_FEAT * 16 + 16,), jnp.float32),
            pltpu.VMEM((M_OUT, _UNITS_PER_W * 16), jnp.float32),
            pltpu.SemaphoreType.DMA,
            pltpu.SemaphoreType.DMA,
        ],
        mesh=mesh,
        compiler_params=pltpu.CompilerParams(
            use_tc_tiling_on_sc=False, needs_layout_passes=False,
            disable_bounds_checks=True, disable_semaphore_checks=True),
    )
    return fn(x3, small)


def kernel(x, d_ew, W, b, d_edges):
    del d_edges
    x3 = x.reshape(BATCH, T_IN, NC2)
    wk = jnp.pad(W.T, ((0, 0), (0, 16 - M_OUT))).reshape(-1)
    small = jnp.concatenate(
        [d_ew.reshape(-1), wk, jnp.pad(b, (0, 16 - M_OUT))])
    out2d = _run(x3, small)
    return out2d.reshape(BATCH, T_OUT, N_NODES, N_CH)

# --- scband reference (transcript-rebuilt; emitter-appended) ---
"""Pipeline reference for scband-gnnextrapolation-58832462020666 (READ-ONLY COPY).

The authoritative reference and input builder live on the scoring server;
editing this copy changes nothing except your own understanding.
"""

import jax, jax.numpy as jnp
import numpy as np

N_NODES = 256
T_IN = 12
T_OUT = 24
N_HEADS = 4
N_CH = 2
BATCH = 4


def _make_d_edges():
    # u_edges: directed ring 0->1->...->255->0, then self-loops appended (as in __init__)
    idx = np.arange(N_NODES, dtype=np.int64)
    ring = np.stack([idx, (idx + 1) % N_NODES], axis=1)
    loops = np.stack([idx, idx], axis=1)
    return jnp.asarray(np.concatenate([ring, loops], axis=0), dtype=jnp.int32)


def setup_inputs(seed: int = 0) -> dict:
    key = jax.random.key(seed)
    k1, k2, k3, k4 = jax.random.split(key, 4)
    x = jax.random.normal(k1, (BATCH, T_IN, N_NODES, N_CH), dtype=jnp.float32)
    d_ew = jax.random.uniform(k2, (2 * N_NODES, N_HEADS), dtype=jnp.float32)
    # shrink = Linear(t_in * n_heads -> T - t_in) followed by ReLU
    fan_in = T_IN * N_HEADS
    W = jax.random.uniform(k3, (T_OUT - T_IN, fan_in), dtype=jnp.float32,
                           minval=-1.0, maxval=1.0) / jnp.sqrt(fan_in)
    b = jax.random.uniform(k4, (T_OUT - T_IN,), dtype=jnp.float32,
                           minval=-1.0, maxval=1.0) / jnp.sqrt(fan_in)
    d_edges = _make_d_edges()
    return {"x": x, "d_ew": d_ew, "W": W, "b": b, "d_edges": d_edges}


def reference(x, d_ew, W, b, d_edges):
    node_i = d_edges[:, 0]
    node_j = d_edges[:, 1]
    B, t, n, c = x.shape
    H = d_ew.shape[-1]
    # graph_convolution, x.ndim == 4 path: dense (B,t,N,N,H,C) holder,
    # scatter-overwrite at (node_i, node_j), then sum over source axis.
    holder = jnp.zeros((B, t, n, n, H, c), dtype=x.dtype)
    vals = d_ew[:, :, None] * x[:, :, node_i, None, :]  # (B,t,E,H,C)
    holder = holder.at[:, :, node_i, node_j].set(vals)
    y = holder.sum(axis=2)  # (B,t,N,H,C)
    y = jnp.transpose(y, (0, 2, 4, 1, 3)).reshape(B, n, c, t * H)
    y = jax.nn.relu(jnp.dot(y, W.T) + b)  # shrink: Linear + ReLU
    y = jnp.transpose(y, (0, 3, 1, 2))  # (B, T - t_in, N, C)
    return jnp.concatenate([x, y], axis=1)  # (B, T, N, C)

if __name__ == "__main__":
    import jax
    _d = setup_inputs()
    print(jax.jit(kernel)(*tuple(_d.values())))

</pallas_src>

<mosaic_0001>
#map = affine_map<(d0, d1) -> (0, 0, 0)>
#map1 = affine_map<(d0, d1) -> (0)>
#map2 = affine_map<(d0, d1) -> (0, 0)>
module attributes {stable_mosaic.version = 14 : i64} {
  func.func @_sc_body(%arg0: i32, %arg1: i32, %arg2: memref<4x12x512xf32, #tpu.memory_space<hbm>>, %arg3: memref<2832xf32, #tpu.memory_space<hbm>>, %arg4: memref<96x512xf32, #tpu.memory_space<hbm>>, %arg5: memref<12x512xf32, #tpu.memory_space<vmem>>, %arg6: memref<2832xf32, #tpu.memory_space<vmem>>, %arg7: memref<12x64xf32, #tpu.memory_space<vmem>>, %arg8: memref<!tpu.dma_semaphore, #tpu.memory_space<semaphore_mem>>, %arg9: memref<!tpu.dma_semaphore, #tpu.memory_space<semaphore_mem>>) attributes {dimension_semantics = [#tpu.dimension_semantics<core_parallel>, #tpu.dimension_semantics<subcore_parallel>], iteration_bounds = array<i64: 2, 16>, scalar_prefetch = 0 : i64, scratch_operands = 5 : i64, tpu.core_type = #tpu.core_type<sc_vector_subcore>, window_params = [{transform_indices = #map}, {transform_indices = #map1}, {transform_indices = #map2}]} {
    %mul3A = arith.constant 2 : i32
    %mul3A_0 = arith.muli %arg1, %mul3A : i32
    %add3A = arith.addi %mul3A_0, %arg0 : i32
    %jit3A = arith.constant 8 : i32
    %div3A = arith.divsi %add3A, %jit3A : i32
    %sign3A = arith.constant 0 : i32
    %sign3A_1 = arith.cmpi sgt, %add3A, %sign3A : i32
    %sign3A_2 = arith.extui %sign3A_1 : i1 to i32
    %sign3A_3 = arith.constant 0 : i32
    %sign3A_4 = arith.cmpi slt, %add3A, %sign3A_3 : i32
    %sign3A_5 = arith.extui %sign3A_4 : i1 to i32
    %sign3A_6 = arith.subi %sign3A_2, %sign3A_5 : i32
    %sign3A_7 = arith.constant 0 : i32
    %sign3A_8 = arith.cmpi sgt, %jit3A, %sign3A_7 : i32
    %sign3A_9 = arith.extui %sign3A_8 : i1 to i32
    %sign3A_10 = arith.constant 0 : i32
    %sign3A_11 = arith.cmpi slt, %jit3A, %sign3A_10 : i32
    %sign3A_12 = arith.extui %sign3A_11 : i1 to i32
    %sign3A_13 = arith.subi %sign3A_9, %sign3A_12 : i32
    %ne3A = arith.cmpi ne, %sign3A_6, %sign3A_13 : i32
    %rem3A = arith.remsi %add3A, %jit3A : i32
    %ne3A_14 = arith.constant 0 : i32
    %ne3A_15 = arith.cmpi ne, %rem3A, %ne3A_14 : i32
    %and3A = arith.andi %ne3A, %ne3A_15 : i1
    %sub3A = arith.constant 1 : i32
    %sub3A_16 = arith.subi %div3A, %sub3A : i32
    %select_n3A = arith.select %and3A, %sub3A_16, %div3A : i32
    %jit3A_17 = arith.constant 8 : i32
    %eq3A = arith.constant 0 : i32
    %eq3A_18 = arith.cmpi eq, %jit3A_17, %eq3A : i32
    %jit3A_19 = arith.constant 1 : i32
    %select_n3A_20 = arith.select %eq3A_18, %jit3A_19, %jit3A_17 : i32
    %rem3A_21 = arith.remsi %add3A, %select_n3A_20 : i32
    %ne3A_22 = arith.constant 0 : i32
    %ne3A_23 = arith.cmpi ne, %rem3A_21, %ne3A_22 : i32
    %lt3A = arith.constant 0 : i32
    %lt3A_24 = arith.cmpi slt, %rem3A_21, %lt3A : i32
    %lt3A_25 = arith.constant 0 : i32
    %lt3A_26 = arith.cmpi slt, %select_n3A_20, %lt3A_25 : i32
    %ne3A_27 = arith.xori %lt3A_24, %lt3A_26 : i1
    %and3A_28 = arith.andi %ne3A_27, %ne3A_23 : i1
    %add3A_29 = arith.addi %rem3A_21, %select_n3A_20 : i32
    %select_n3A_30 = arith.select %and3A_28, %add3A_29, %rem3A_21 : i32
    %mul3A_31 = arith.constant 4 : i32
    %mul3A_32 = arith.muli %select_n3A_30, %mul3A_31 : i32
    %dma_start3A = arith.constant 0 : i32
    %dma_start3A_33 = arith.constant 0 : i32
    %dma_start3A_34 = tpu.memref_slice %arg2[%select_n3A, %dma_start3A, %dma_start3A_33] : memref<4x12x512xf32, #tpu.memory_space<hbm>> -> memref<1x12x512xf32, #tpu.memory_space<hbm>>
    %dma_start3A_35 = tpu.memref_squeeze %dma_start3A_34 : memref<1x12x512xf32, #tpu.memory_space<hbm>> -> memref<12x512xf32, #tpu.memory_space<hbm>>
    %dma_start3A_36 = arith.constant 0 : i32
    %dma_start3A_37 = arith.constant 0 : i32
    %dma_start3A_38 = tpu.memref_slice %arg2[%select_n3A, %dma_start3A_36, %dma_start3A_37] : memref<4x12x512xf32, #tpu.memory_space<hbm>> -> memref<1x12x512xf32, #tpu.memory_space<hbm>>
    %dma_start3A_39 = tpu.memref_squeeze %dma_start3A_38 : memref<1x12x512xf32, #tpu.memory_space<hbm>> -> memref<12x512xf32, #tpu.memory_space<hbm>>
    tpu.enqueue_dma source(%dma_start3A_39 : memref<12x512xf32, #tpu.memory_space<hbm>>) target(%arg5 : memref<12x512xf32, #tpu.memory_space<vmem>>) target_semaphore(%arg8 : memref<!tpu.dma_semaphore, #tpu.memory_space<semaphore_mem>>)
    tpu.enqueue_dma source(%arg3 : memref<2832xf32, #tpu.memory_space<hbm>>) target(%arg6 : memref<2832xf32, #tpu.memory_space<vmem>>) target_semaphore(%arg9 : memref<!tpu.dma_semaphore, #tpu.memory_space<semaphore_mem>>)
    %dma_wait3A = arith.constant 0 : i32
    %dma_wait3A_40 = arith.constant 0 : i32
    %dma_wait3A_41 = tpu.memref_slice %arg2[%select_n3A, %dma_wait3A, %dma_wait3A_40] : memref<4x12x512xf32, #tpu.memory_space<hbm>> -> memref<1x12x512xf32, #tpu.memory_space<hbm>>
    %dma_wait3A_42 = tpu.memref_squeeze %dma_wait3A_41 : memref<1x12x512xf32, #tpu.memory_space<hbm>> -> memref<12x512xf32, #tpu.memory_space<hbm>>
    %dma_wait3A_43 = arith.constant 0 : i32
    %dma_wait3A_44 = arith.constant 0 : i32
    %dma_wait3A_45 = tpu.memref_slice %arg2[%select_n3A, %dma_wait3A_43, %dma_wait3A_44] : memref<4x12x512xf32, #tpu.memory_space<hbm>> -> memref<1x12x512xf32, #tpu.memory_space<hbm>>
    %dma_wait3A_46 = tpu.memref_squeeze %dma_wait3A_45 : memref<1x12x512xf32, #tpu.memory_space<hbm>> -> memref<12x512xf32, #tpu.memory_space<hbm>>
    tpu.wait_dma2 semaphore(%arg8 : memref<!tpu.dma_semaphore, #tpu.memory_space<semaphore_mem>>) src(%dma_wait3A_46 : memref<12x512xf32, #tpu.memory_space<hbm>>) dst(%arg5 : memref<12x512xf32, #tpu.memory_space<vmem>>)
    tpu.wait_dma2 semaphore(%arg9 : memref<!tpu.dma_semaphore, #tpu.memory_space<semaphore_mem>>) src(%arg3 : memref<2832xf32, #tpu.memory_space<hbm>>) dst(%arg6 : memref<2832xf32, #tpu.memory_space<vmem>>)
    %jit3A_47 = arith.constant 8 : i32
    %eq3A_48 = arith.constant 0 : i32
    %eq3A_49 = arith.cmpi eq, %jit3A_47, %eq3A_48 : i32
    %jit3A_50 = arith.constant 1 : i32
    %select_n3A_51 = arith.select %eq3A_49, %jit3A_50, %jit3A_47 : i32
    %rem3A_52 = arith.remsi %add3A, %select_n3A_51 : i32
    %ne3A_53 = arith.constant 0 : i32
    %ne3A_54 = arith.cmpi ne, %rem3A_52, %ne3A_53 : i32
    %lt3A_55 = arith.constant 0 : i32
    %lt3A_56 = arith.cmpi slt, %rem3A_52, %lt3A_55 : i32
    %lt3A_57 = arith.constant 0 : i32
    %lt3A_58 = arith.cmpi slt, %select_n3A_51, %lt3A_57 : i32
    %ne3A_59 = arith.xori %lt3A_56, %lt3A_58 : i1
    %and3A_60 = arith.andi %ne3A_59, %ne3A_54 : i1
    %add3A_61 = arith.addi %rem3A_52, %select_n3A_51 : i32
    %select_n3A_62 = arith.select %and3A_60, %add3A_61, %rem3A_52 : i32
    %eq3A_63 = arith.constant 0 : i32
    %eq3A_64 = arith.cmpi eq, %select_n3A_62, %eq3A_63 : i32
    %convert_element_type3A = arith.extui %eq3A_64 : i1 to i32
    %cond3A = arith.constant 0 : i32
    %cond3A_65 = arith.cmpi ne, %convert_element_type3A, %cond3A : i32
    scf.if %cond3A_65 {
      %mul3A_104 = arith.constant 24 : i32
      %mul3A_105 = arith.muli %select_n3A, %mul3A_104 : i32
      "tpu.region"() ({
        %run_scoped3A = tpu.sem_alloc : memref<!tpu.dma_semaphore, #tpu.memory_space<semaphore_mem>>
        %dma_start3A_106 = arith.constant 0 : i32
        %dma_start3A_107 = tpu.memref_slice %arg4[%mul3A_105, %dma_start3A_106] : memref<96x512xf32, #tpu.memory_space<hbm>> -> memref<12x512xf32, #tpu.memory_space<hbm>>
        %dma_start3A_108 = arith.constant 0 : i32
        %dma_start3A_109 = tpu.memref_slice %arg4[%mul3A_105, %dma_start3A_108] : memref<96x512xf32, #tpu.memory_space<hbm>> -> memref<12x512xf32, #tpu.memory_space<hbm>>
        tpu.enqueue_dma source(%arg5 : memref<12x512xf32, #tpu.memory_space<vmem>>) target(%dma_start3A_109 : memref<12x512xf32, #tpu.memory_space<hbm>>) target_semaphore(%run_scoped3A : memref<!tpu.dma_semaphore, #tpu.memory_space<semaphore_mem>>)
        %dma_wait3A_110 = arith.constant 0 : i32
        %dma_wait3A_111 = tpu.memref_slice %arg4[%mul3A_105, %dma_wait3A_110] : memref<96x512xf32, #tpu.memory_space<hbm>> -> memref<12x512xf32, #tpu.memory_space<hbm>>
        %dma_wait3A_112 = arith.constant 0 : i32
        %dma_wait3A_113 = tpu.memref_slice %arg4[%mul3A_105, %dma_wait3A_112] : memref<96x512xf32, #tpu.memory_space<hbm>> -> memref<12x512xf32, #tpu.memory_space<hbm>>
        tpu.wait_dma2 semaphore(%run_scoped3A : memref<!tpu.dma_semaphore, #tpu.memory_space<semaphore_mem>>) src(%arg5 : memref<12x512xf32, #tpu.memory_space<vmem>>) dst(%dma_wait3A_113 : memref<12x512xf32, #tpu.memory_space<hbm>>)
        tpu.yield
      }) : () -> ()
    } else {
    }
    %iota3A = tpu.iota {dimensions = array<i32: 0>} : vector<16xi32>
    %and3A_66 = arith.constant 1 : i32
    %and3A_67 = vector.broadcast %and3A_66 : i32 to vector<16xi32>
    %and3A_68 = arith.andi %iota3A, %and3A_67 : vector<16xi32>
    %broadcast_in_dim3A = arith.constant 0 : i32
    %broadcast_in_dim3A_69 = vector.broadcast %broadcast_in_dim3A : i32 to vector<16xi32>
    %broadcast_in_dim3A_70 = arith.constant 1 : i32
    %broadcast_in_dim3A_71 = vector.broadcast %broadcast_in_dim3A_70 : i32 to vector<16xi32>
    %broadcast_in_dim3A_72 = arith.constant 2 : i32
    %broadcast_in_dim3A_73 = vector.broadcast %broadcast_in_dim3A_72 : i32 to vector<16xi32>
    %broadcast_in_dim3A_74 = arith.constant 3 : i32
    %broadcast_in_dim3A_75 = vector.broadcast %broadcast_in_dim3A_74 : i32 to vector<16xi32>
    %broadcast_in_dim3A_76 = arith.constant 4 : i32
    %broadcast_in_dim3A_77 = vector.broadcast %broadcast_in_dim3A_76 : i32 to vector<16xi32>
    %broadcast_in_dim3A_78 = arith.constant 5 : i32
    %broadcast_in_dim3A_79 = vector.broadcast %broadcast_in_dim3A_78 : i32 to vector<16xi32>
    %broadcast_in_dim3A_80 = arith.constant 6 : i32
    %broadcast_in_dim3A_81 = vector.broadcast %broadcast_in_dim3A_80 : i32 to vector<16xi32>
    %broadcast_in_dim3A_82 = arith.constant 7 : i32
    %broadcast_in_dim3A_83 = vector.broadcast %broadcast_in_dim3A_82 : i32 to vector<16xi32>
    %broadcast_in_dim3A_84 = arith.constant 8 : i32
    %broadcast_in_dim3A_85 = vector.broadcast %broadcast_in_dim3A_84 : i32 to vector<16xi32>
    %broadcast_in_dim3A_86 = arith.constant 9 : i32
    %broadcast_in_dim3A_87 = vector.broadcast %broadcast_in_dim3A_86 : i32 to vector<16xi32>
    %broadcast_in_dim3A_88 = arith.constant 10 : i32
    %broadcast_in_dim3A_89 = vector.broadcast %broadcast_in_dim3A_88 : i32 to vector<16xi32>
    %broadcast_in_dim3A_90 = arith.constant 11 : i32
    %broadcast_in_dim3A_91 = vector.broadcast %broadcast_in_dim3A_90 : i32 to vector<16xi32>
    %get3A = arith.constant 2816 : index
    %get3A_92 = tpu.vector_load %arg6[%get3A] {strides = array<i32>} : memref<2832xf32, #tpu.memory_space<vmem>>, vector<16xf32>,
    %scan3A = arith.constant 0 : i32
    %scan3A_93 = arith.constant 0 : i32
    %scan3A_94 = arith.constant 2 : i32
    %scan3A_95 = arith.addi %scan3A_93, %scan3A_94 : i32
    %scan3A_96 = arith.constant 1 : i32
    scf.for %scan3A_104 = %scan3A_93 to %scan3A_95 step %scan3A_96  : i32 {
      %mul3A_105 = arith.constant 2 : i32
      %mul3A_106 = arith.muli %mul3A_105, %scan3A_104 : i32
      %add3A_107 = arith.addi %mul3A_32, %mul3A_106 : i32
      %add3A_108 = arith.constant 0 : i32
      %add3A_109 = arith.addi %add3A_107, %add3A_108 : i32
      %mul3A_110 = arith.constant 8 : i32
      %mul3A_111 = arith.muli %add3A_109, %mul3A_110 : i32
      %shift_right_arithmetic3A = arith.constant 1 : i32
      %shift_right_arithmetic3A_112 = vector.broadcast %shift_right_arithmetic3A : i32 to vector<16xi32>
      %shift_right_arithmetic3A_113 = arith.shrsi %iota3A, %shift_right_arithmetic3A_112 : vector<16xi32>
      %add3A_114 = vector.broadcast %mul3A_111 : i32 to vector<16xi32>
      %add3A_115 = arith.addi %add3A_114, %shift_right_arithmetic3A_113 : vector<16xi32>
      %add3A_116 = arith.constant 256 : i32
      %add3A_117 = vector.broadcast %add3A_116 : i32 to vector<16xi32>
      %add3A_118 = arith.addi %add3A_115, %add3A_117 : vector<16xi32>
      %sub3A_119 = arith.constant 1 : i32
      %sub3A_120 = vector.broadcast %sub3A_119 : i32 to vector<16xi32>
      %sub3A_121 = arith.subi %add3A_118, %sub3A_120 : vector<16xi32>
      %and3A_122 = arith.constant 255 : i32
      %and3A_123 = vector.broadcast %and3A_122 : i32 to vector<16xi32>
      %and3A_124 = arith.andi %sub3A_121, %and3A_123 : vector<16xi32>
      %mul3A_125 = arith.constant 2 : i32
      %mul3A_126 = vector.broadcast %mul3A_125 : i32 to vector<16xi32>
      %mul3A_127 = arith.muli %and3A_124, %mul3A_126 : vector<16xi32>
      %add3A_128 = arith.addi %mul3A_127, %and3A_68 : vector<16xi32>
      %mul3A_129 = arith.constant 4 : i32
      %mul3A_130 = vector.broadcast %mul3A_129 : i32 to vector<16xi32>
      %mul3A_131 = arith.muli %and3A_124, %mul3A_130 : vector<16xi32>
      %add3A_132 = arith.constant 256 : i32
      %add3A_133 = vector.broadcast %add3A_132 : i32 to vector<16xi32>
      %add3A_134 = arith.addi %add3A_115, %add3A_133 : vector<16xi32>
      %mul3A_135 = arith.constant 4 : i32
      %mul3A_136 = vector.broadcast %mul3A_135 : i32 to vector<16xi32>
      %mul3A_137 = arith.muli %add3A_134, %mul3A_136 : vector<16xi32>
      %mul3A_138 = arith.constant 16 : i32
      %mul3A_139 = arith.muli %add3A_109, %mul3A_138 : i32
      %add3A_140 = vector.broadcast %mul3A_139 : i32 to vector<16xi32>
      %add3A_141 = arith.addi %add3A_140, %iota3A : vector<16xi32>
      %mul3A_142 = arith.constant 2 : i32
      %mul3A_143 = arith.muli %mul3A_142, %scan3A_104 : i32
      %add3A_144 = arith.addi %mul3A_32, %mul3A_143 : i32
      %add3A_145 = arith.constant 1 : i32
      %add3A_146 = arith.addi %add3A_144, %add3A_145 : i32
      %mul3A_147 = arith.constant 8 : i32
      %mul3A_148 = arith.muli %add3A_146, %mul3A_147 : i32
      %shift_right_arithmetic3A_149 = arith.constant 1 : i32
      %shift_right_arithmetic3A_150 = vector.broadcast %shift_right_arithmetic3A_149 : i32 to vector<16xi32>
      %shift_right_arithmetic3A_151 = arith.shrsi %iota3A, %shift_right_arithmetic3A_150 : vector<16xi32>
      %add3A_152 = vector.broadcast %mul3A_148 : i32 to vector<16xi32>
      %add3A_153 = arith.addi %add3A_152, %shift_right_arithmetic3A_151 : vector<16xi32>
      %add3A_154 = arith.constant 256 : i32
      %add3A_155 = vector.broadcast %add3A_154 : i32 to vector<16xi32>
      %add3A_156 = arith.addi %add3A_153, %add3A_155 : vector<16xi32>
      %sub3A_157 = arith.constant 1 : i32
      %sub3A_158 = vector.broadcast %sub3A_157 : i32 to vector<16xi32>
      %sub3A_159 = arith.subi %add3A_156, %sub3A_158 : vector<16xi32>
      %and3A_160 = arith.constant 255 : i32
      %and3A_161 = vector.broadcast %and3A_160 : i32 to vector<16xi32>
      %and3A_162 = arith.andi %sub3A_159, %and3A_161 : vector<16xi32>
      %mul3A_163 = arith.constant 2 : i32
      %mul3A_164 = vector.broadcast %mul3A_163 : i32 to vector<16xi32>
      %mul3A_165 = arith.muli %and3A_162, %mul3A_164 : vector<16xi32>
      %add3A_166 = arith.addi %mul3A_165, %and3A_68 : vector<16xi32>
      %mul3A_167 = arith.constant 4 : i32
      %mul3A_168 = vector.broadcast %mul3A_167 : i32 to vector<16xi32>
      %mul3A_169 = arith.muli %and3A_162, %mul3A_168 : vector<16xi32>
      %add3A_170 = arith.constant 256 : i32
      %add3A_171 = vector.broadcast %add3A_170 : i32 to vector<16xi32>
      %add3A_172 = arith.addi %add3A_153, %add3A_171 : vector<16xi32>
      %mul3A_173 = arith.constant 4 : i32
      %mul3A_174 = vector.broadcast %mul3A_173 : i32 to vector<16xi32>
      %mul3A_175 = arith.muli %add3A_172, %mul3A_174 : vector<16xi32>
      %mul3A_176 = arith.constant 16 : i32
      %mul3A_177 = arith.muli %add3A_146, %mul3A_176 : i32
      %add3A_178 = vector.broadcast %mul3A_177 : i32 to vector<16xi32>
      %add3A_179 = arith.addi %add3A_178, %iota3A : vector<16xi32>
      %broadcast_in_dim3A_180 = arith.constant 0.000000e+00 : f32
      %broadcast_in_dim3A_181 = vector.broadcast %broadcast_in_dim3A_180 : f32 to vector<16xf32>
      %broadcast_in_dim3A_182 = arith.constant 0.000000e+00 : f32
      %broadcast_in_dim3A_183 = vector.broadcast %broadcast_in_dim3A_182 : f32 to vector<16xf32>
      %broadcast_in_dim3A_184 = arith.constant 0.000000e+00 : f32
      %broadcast_in_dim3A_185 = vector.broadcast %broadcast_in_dim3A_184 : f32 to vector<16xf32>
      %broadcast_in_dim3A_186 = arith.constant 0.000000e+00 : f32
      %broadcast_in_dim3A_187 = vector.broadcast %broadcast_in_dim3A_186 : f32 to vector<16xf32>
      %broadcast_in_dim3A_188 = arith.constant 0.000000e+00 : f32
      %broadcast_in_dim3A_189 = vector.broadcast %broadcast_in_dim3A_188 : f32 to vector<16xf32>
      %broadcast_in_dim3A_190 = arith.constant 0.000000e+00 : f32
      %broadcast_in_dim3A_191 = vector.broadcast %broadcast_in_dim3A_190 : f32 to vector<16xf32>
      %broadcast_in_dim3A_192 = arith.constant 0.000000e+00 : f32
      %broadcast_in_dim3A_193 = vector.broadcast %broadcast_in_dim3A_192 : f32 to vector<16xf32>
      %broadcast_in_dim3A_194 = arith.constant 0.000000e+00 : f32
      %broadcast_in_dim3A_195 = vector.broadcast %broadcast_in_dim3A_194 : f32 to vector<16xf32>
      %broadcast_in_dim3A_196 = arith.constant 0.000000e+00 : f32
      %broadcast_in_dim3A_197 = vector.broadcast %broadcast_in_dim3A_196 : f32 to vector<16xf32>
      %broadcast_in_dim3A_198 = arith.constant 0.000000e+00 : f32
      %broadcast_in_dim3A_199 = vector.broadcast %broadcast_in_dim3A_198 : f32 to vector<16xf32>
      %broadcast_in_dim3A_200 = arith.constant 0.000000e+00 : f32
      %broadcast_in_dim3A_201 = vector.broadcast %broadcast_in_dim3A_200 : f32 to vector<16xf32>
      %broadcast_in_dim3A_202 = arith.constant 0.000000e+00 : f32
      %broadcast_in_dim3A_203 = vector.broadcast %broadcast_in_dim3A_202 : f32 to vector<16xf32>
      %broadcast_in_dim3A_204 = arith.constant 0.000000e+00 : f32
      %broadcast_in_dim3A_205 = vector.broadcast %broadcast_in_dim3A_204 : f32 to vector<16xf32>
      %broadcast_in_dim3A_206 = arith.constant 0.000000e+00 : f32
      %broadcast_in_dim3A_207 = vector.broadcast %broadcast_in_dim3A_206 : f32 to vector<16xf32>
      %broadcast_in_dim3A_208 = arith.constant 0.000000e+00 : f32
      %broadcast_in_dim3A_209 = vector.broadcast %broadcast_in_dim3A_208 : f32 to vector<16xf32>
      %broadcast_in_dim3A_210 = arith.constant 0.000000e+00 : f32
      %broadcast_in_dim3A_211 = vector.broadcast %broadcast_in_dim3A_210 : f32 to vector<16xf32>
      %broadcast_in_dim3A_212 = arith.constant 0.000000e+00 : f32
      %broadcast_in_dim3A_213 = vector.broadcast %broadcast_in_dim3A_212 : f32 to vector<16xf32>
      %broadcast_in_dim3A_214 = arith.constant 0.000000e+00 : f32
      %broadcast_in_dim3A_215 = vector.broadcast %broadcast_in_dim3A_214 : f32 to vector<16xf32>
      %broadcast_in_dim3A_216 = arith.constant 0.000000e+00 : f32
      %broadcast_in_dim3A_217 = vector.broadcast %broadcast_in_dim3A_216 : f32 to vector<16xf32>
      %broadcast_in_dim3A_218 = arith.constant 0.000000e+00 : f32
      %broadcast_in_dim3A_219 = vector.broadcast %broadcast_in_dim3A_218 : f32 to vector<16xf32>
      %broadcast_in_dim3A_220 = arith.constant 0.000000e+00 : f32
      %broadcast_in_dim3A_221 = vector.broadcast %broadcast_in_dim3A_220 : f32 to vector<16xf32>
      %broadcast_in_dim3A_222 = arith.constant 0.000000e+00 : f32
      %broadcast_in_dim3A_223 = vector.broadcast %broadcast_in_dim3A_222 : f32 to vector<16xf32>
      %broadcast_in_dim3A_224 = arith.constant 0.000000e+00 : f32
      %broadcast_in_dim3A_225 = vector.broadcast %broadcast_in_dim3A_224 : f32 to vector<16xf32>
      %broadcast_in_dim3A_226 = arith.constant 0.000000e+00 : f32
      %broadcast_in_dim3A_227 = vector.broadcast %broadcast_in_dim3A_226 : f32 to vector<16xf32>
      %scan3A_228 = arith.constant 0 : i32
      %scan3A_229 = arith.constant 12 : i32
      %scan3A_230 = arith.addi %scan3A_228, %scan3A_229 : i32
      %scan3A_231 = arith.constant 1 : i32
      %scan3A_232:24 = scf.for %scan3A_583 = %scan3A_228 to %scan3A_230 step %scan3A_231 iter_args(%scan3A_584 = %broadcast_in_dim3A_181, %scan3A_585 = %broadcast_in_dim3A_183, %scan3A_586 = %broadcast_in_dim3A_185, %scan3A_587 = %broadcast_in_dim3A_187, %scan3A_588 = %broadcast_in_dim3A_189, %scan3A_589 = %broadcast_in_dim3A_191, %scan3A_590 = %broadcast_in_dim3A_193, %scan3A_591 = %broadcast_in_dim3A_195, %scan3A_592 = %broadcast_in_dim3A_197, %scan3A_593 = %broadcast_in_dim3A_199, %scan3A_594 = %broadcast_in_dim3A_201, %scan3A_595 = %broadcast_in_dim3A_203, %scan3A_596 = %broadcast_in_dim3A_205, %scan3A_597 = %broadcast_in_dim3A_207, %scan3A_598 = %broadcast_in_dim3A_209, %scan3A_599 = %broadcast_in_dim3A_211, %scan3A_600 = %broadcast_in_dim3A_213, %scan3A_601 = %broadcast_in_dim3A_215, %scan3A_602 = %broadcast_in_dim3A_217, %scan3A_603 = %broadcast_in_dim3A_219, %scan3A_604 = %broadcast_in_dim3A_221, %scan3A_605 = %broadcast_in_dim3A_223, %scan3A_606 = %broadcast_in_dim3A_225, %scan3A_607 = %broadcast_in_dim3A_227) -> (vector<16xf32>, vector<16xf32>, vector<16xf32>, vector<16xf32>, vector<16xf32>, vector<16xf32>, vector<16xf32>, vector<16xf32>, vector<16xf32>, vector<16xf32>, vector<16xf32>, vector<16xf32>, vector<16xf32>, vector<16xf32>, vector<16xf32>, vector<16xf32>, vector<16xf32>, vector<16xf32>, vector<16xf32>, vector<16xf32>, vector<16xf32>, vector<16xf32>, vector<16xf32>, vector<16xf32>)  : i32 {
        %broadcast_in_dim3A_608 = arith.constant 1 : i32
        %broadcast_in_dim3A_609 = vector.broadcast %broadcast_in_dim3A_608 : i32 to vector<16xi32>
        %mul3A_610 = vector.broadcast %scan3A_583 : i32 to vector<16xi32>
        %mul3A_611 = arith.muli %broadcast_in_dim3A_609, %mul3A_610 : vector<16xi32>
        %gather3A_612 = tpu.vector_load_idx %arg5[%mul3A_611, %add3A_141] : memref<12x512xf32, #tpu.memory_space<vmem>>[vector<16xi32>, vector<16xi32>], vector<16xf32>,
        %gather3A_613 = tpu.vector_load_idx %arg5[%mul3A_611, %add3A_179] : memref<12x512xf32, #tpu.memory_space<vmem>>[vector<16xi32>, vector<16xi32>], vector<16xf32>,
        %gather3A_614 = tpu.vector_load_idx %arg5[%mul3A_611, %add3A_128] : memref<12x512xf32, #tpu.memory_space<vmem>>[vector<16xi32>, vector<16xi32>], vector<16xf32>,
        %gather3A_615 = tpu.vector_load_idx %arg5[%mul3A_611, %add3A_166] : memref<12x512xf32, #tpu.memory_space<vmem>>[vector<16xi32>, vector<16xi32>], vector<16xf32>,
        %mul3A_616 = arith.constant 64 : i32
        %mul3A_617 = vector.broadcast %mul3A_616 : i32 to vector<16xi32>
        %mul3A_618 = arith.muli %mul3A_611, %mul3A_617 : vector<16xi32>
        %add3A_619 = arith.constant 2048 : i32
        %add3A_620 = vector.broadcast %add3A_619 : i32 to vector<16xi32>
        %add3A_621 = arith.addi %mul3A_618, %add3A_620 : vector<16xi32>
        %add3A_622 = arith.addi %add3A_621, %iota3A : vector<16xi32>
        %gather3A_623 = tpu.vector_load_idx %arg6[%add3A_622] : memref<2832xf32, #tpu.memory_space<vmem>>[vector<16xi32>], vector<16xf32>,
        %add3A_624 = arith.constant 0 : i32
        %add3A_625 = vector.broadcast %add3A_624 : i32 to vector<16xi32>
        %add3A_626 = arith.addi %mul3A_131, %add3A_625 : vector<16xi32>
        %gather3A_627 = tpu.vector_load_idx %arg6[%add3A_626] : memref<2832xf32, #tpu.memory_space<vmem>>[vector<16xi32>], vector<16xf32>,
        %add3A_628 = arith.constant 0 : i32
        %add3A_629 = vector.broadcast %add3A_628 : i32 to vector<16xi32>
        %add3A_630 = arith.addi %mul3A_137, %add3A_629 : vector<16xi32>
        %gather3A_631 = tpu.vector_load_idx %arg6[%add3A_630] : memref<2832xf32, #tpu.memory_space<vmem>>[vector<16xi32>], vector<16xf32>,
        %mul3A_632 = arith.mulf %gather3A_627, %gather3A_614 : vector<16xf32>
        %mul3A_633 = arith.mulf %gather3A_631, %gather3A_612 : vector<16xf32>
        %add3A_634 = arith.addf %mul3A_632, %mul3A_633 : vector<16xf32>
        %add3A_635 = arith.constant 0 : i32
        %add3A_636 = vector.broadcast %add3A_635 : i32 to vector<16xi32>
        %add3A_637 = arith.addi %mul3A_169, %add3A_636 : vector<16xi32>
        %gather3A_638 = tpu.vector_load_idx %arg6[%add3A_637] : memref<2832xf32, #tpu.memory_space<vmem>>[vector<16xi32>], vector<16xf32>,
        %add3A_639 = arith.constant 0 : i32
        %add3A_640 = vector.broadcast %add3A_639 : i32 to vector<16xi32>
        %add3A_641 = arith.addi %mul3A_175, %add3A_640 : vector<16xi32>
        %gather3A_642 = tpu.vector_load_idx %arg6[%add3A_641] : memref<2832xf32, #tpu.memory_space<vmem>>[vector<16xi32>], vector<16xf32>,
        %mul3A_643 = arith.mulf %gather3A_638, %gather3A_615 : vector<16xf32>
        %mul3A_644 = arith.mulf %gather3A_642, %gather3A_613 : vector<16xf32>
        %add3A_645 = arith.addf %mul3A_643, %mul3A_644 : vector<16xf32>
        %lt3A_646 = arith.constant 0 : i32
        %lt3A_647 = vector.broadcast %lt3A_646 : i32 to vector<16xi32>
        %lt3A_648 = arith.cmpi slt, %broadcast_in_dim3A_69, %lt3A_647 : vector<16xi32>
        %add3A_649 = arith.constant 16 : i32
        %add3A_650 = vector.broadcast %add3A_649 : i32 to vector<16xi32>
        %add3A_651 = arith.addi %broadcast_in_dim3A_69, %add3A_650 : vector<16xi32>
        %select_n3A_652 = arith.select %lt3A_648, %add3A_651, %broadcast_in_dim3A_69 : vector<16xi1>, vector<16xi32>
        %reshape3A_653 = vector.shape_cast %select_n3A_652 : vector<16xi32> to vector<16x1xi32>
        %gather3A_654 = vector.shape_cast %reshape3A_653 : vector<16x1xi32> to vector<16xi32>
        %gather3A_655 = tpu.dynamic_gather %gather3A_623[%gather3A_654] in [0] : vector<16xf32>, vector<16xi32> -> vector<16xf32>
        %mul3A_656 = arith.mulf %gather3A_655, %add3A_634 : vector<16xf32>
        %add3A_657 = arith.addf %scan3A_584, %mul3A_656 : vector<16xf32>
        %mul3A_658 = arith.mulf %gather3A_655, %add3A_645 : vector<16xf32>
        %add3A_659 = arith.addf %scan3A_596, %mul3A_658 : vector<16xf32>
        %lt3A_660 = arith.constant 0 : i32
        %lt3A_661 = vector.broadcast %lt3A_660 : i32 to vector<16xi32>
        %lt3A_662 = arith.cmpi slt, %broadcast_in_dim3A_71, %lt3A_661 : vector<16xi32>
        %add3A_663 = arith.constant 16 : i32
        %add3A_664 = vector.broadcast %add3A_663 : i32 to vector<16xi32>
        %add3A_665 = arith.addi %broadcast_in_dim3A_71, %add3A_664 : vector<16xi32>
        %select_n3A_666 = arith.select %lt3A_662, %add3A_665, %broadcast_in_dim3A_71 : vector<16xi1>, vector<16xi32>
        %reshape3A_667 = vector.shape_cast %select_n3A_666 : vector<16xi32> to vector<16x1xi32>
        %gather3A_668 = vector.shape_cast %reshape3A_667 : vector<16x1xi32> to vector<16xi32>
        %gather3A_669 = tpu.dynamic_gather %gather3A_623[%gather3A_668] in [0] : vector<16xf32>, vector<16xi32> -> vector<16xf32>
        %mul3A_670 = arith.mulf %gather3A_669, %add3A_634 : vector<16xf32>
        %add3A_671 = arith.addf %scan3A_585, %mul3A_670 : vector<16xf32>
        %mul3A_672 = arith.mulf %gather3A_669, %add3A_645 : vector<16xf32>
        %add3A_673 = arith.addf %scan3A_597, %mul3A_672 : vector<16xf32>
        %lt3A_674 = arith.constant 0 : i32
        %lt3A_675 = vector.broadcast %lt3A_674 : i32 to vector<16xi32>
        %lt3A_676 = arith.cmpi slt, %broadcast_in_dim3A_73, %lt3A_675 : vector<16xi32>
        %add3A_677 = arith.constant 16 : i32
        %add3A_678 = vector.broadcast %add3A_677 : i32 to vector<16xi32>
        %add3A_679 = arith.addi %broadcast_in_dim3A_73, %add3A_678 : vector<16xi32>
        %select_n3A_680 = arith.select %lt3A_676, %add3A_679, %broadcast_in_dim3A_73 : vector<16xi1>, vector<16xi32>
        %reshape3A_681 = vector.shape_cast %select_n3A_680 : vector<16xi32> to vector<16x1xi32>
        %gather3A_682 = vector.shape_cast %reshape3A_681 : vector<16x1xi32> to vector<16xi32>
        %gather3A_683 = tpu.dynamic_gather %gather3A_623[%gather3A_682] in [0] : vector<16xf32>, vector<16xi32> -> vector<16xf32>
        %mul3A_684 = arith.mulf %gather3A_683, %add3A_634 : vector<16xf32>
        %add3A_685 = arith.addf %scan3A_586, %mul3A_684 : vector<16xf32>
        %mul3A_686 = arith.mulf %gather3A_683, %add3A_645 : vector<16xf32>
        %add3A_687 = arith.addf %scan3A_598, %mul3A_686 : vector<16xf32>
        %lt3A_688 = arith.constant 0 : i32
        %lt3A_689 = vector.broadcast %lt3A_688 : i32 to vector<16xi32>
        %lt3A_690 = arith.cmpi slt, %broadcast_in_dim3A_75, %lt3A_689 : vector<16xi32>
        %add3A_691 = arith.constant 16 : i32
        %add3A_692 = vector.broadcast %add3A_691 : i32 to vector<16xi32>
        %add3A_693 = arith.addi %broadcast_in_dim3A_75, %add3A_692 : vector<16xi32>
        %select_n3A_694 = arith.select %lt3A_690, %add3A_693, %broadcast_in_dim3A_75 : vector<16xi1>, vector<16xi32>
        %reshape3A_695 = vector.shape_cast %select_n3A_694 : vector<16xi32> to vector<16x1xi32>
        %gather3A_696 = vector.shape_cast %reshape3A_695 : vector<16x1xi32> to vector<16xi32>
        %gather3A_697 = tpu.dynamic_gather %gather3A_623[%gather3A_696] in [0] : vector<16xf32>, vector<16xi32> -> vector<16xf32>
        %mul3A_698 = arith.mulf %gather3A_697, %add3A_634 : vector<16xf32>
        %add3A_699 = arith.addf %scan3A_587, %mul3A_698 : vector<16xf32>
        %mul3A_700 = arith.mulf %gather3A_697, %add3A_645 : vector<16xf32>
        %add3A_701 = arith.addf %scan3A_599, %mul3A_700 : vector<16xf32>
        %lt3A_702 = arith.constant 0 : i32
        %lt3A_703 = vector.broadcast %lt3A_702 : i32 to vector<16xi32>
        %lt3A_704 = arith.cmpi slt, %broadcast_in_dim3A_77, %lt3A_703 : vector<16xi32>
        %add3A_705 = arith.constant 16 : i32
        %add3A_706 = vector.broadcast %add3A_705 : i32 to vector<16xi32>
        %add3A_707 = arith.addi %broadcast_in_dim3A_77, %add3A_706 : vector<16xi32>
        %select_n3A_708 = arith.select %lt3A_704, %add3A_707, %broadcast_in_dim3A_77 : vector<16xi1>, vector<16xi32>
        %reshape3A_709 = vector.shape_cast %select_n3A_708 : vector<16xi32> to vector<16x1xi32>
        %gather3A_710 = vector.shape_cast %reshape3A_709 : vector<16x1xi32> to vector<16xi32>
        %gather3A_711 = tpu.dynamic_gather %gather3A_623[%gather3A_710] in [0] : vector<16xf32>, vector<16xi32> -> vector<16xf32>
        %mul3A_712 = arith.mulf %gather3A_711, %add3A_634 : vector<16xf32>
        %add3A_713 = arith.addf %scan3A_588, %mul3A_712 : vector<16xf32>
        %mul3A_714 = arith.mulf %gather3A_711, %add3A_645 : vector<16xf32>
        %add3A_715 = arith.addf %scan3A_600, %mul3A_714 : vector<16xf32>
        %lt3A_716 = arith.constant 0 : i32
        %lt3A_717 = vector.broadcast %lt3A_716 : i32 to vector<16xi32>
        %lt3A_718 = arith.cmpi slt, %broadcast_in_dim3A_79, %lt3A_717 : vector<16xi32>
        %add3A_719 = arith.constant 16 : i32
        %add3A_720 = vector.broadcast %add3A_719 : i32 to vector<16xi32>
        %add3A_721 = arith.addi %broadcast_in_dim3A_79, %add3A_720 : vector<16xi32>
        %select_n3A_722 = arith.select %lt3A_718, %add3A_721, %broadcast_in_dim3A_79 : vector<16xi1>, vector<16xi32>
        %reshape3A_723 = vector.shape_cast %select_n3A_722 : vector<16xi32> to vector<16x1xi32>
        %gather3A_724 = vector.shape_cast %reshape3A_723 : vector<16x1xi32> to vector<16xi32>
        %gather3A_725 = tpu.dynamic_gather %gather3A_623[%gather3A_724] in [0] : vector<16xf32>, vector<16xi32> -> vector<16xf32>
        %mul3A_726 = arith.mulf %gather3A_725, %add3A_634 : vector<16xf32>
        %add3A_727 = arith.addf %scan3A_589, %mul3A_726 : vector<16xf32>
        %mul3A_728 = arith.mulf %gather3A_725, %add3A_645 : vector<16xf32>
        %add3A_729 = arith.addf %scan3A_601, %mul3A_728 : vector<16xf32>
        %lt3A_730 = arith.constant 0 : i32
        %lt3A_731 = vector.broadcast %lt3A_730 : i32 to vector<16xi32>
        %lt3A_732 = arith.cmpi slt, %broadcast_in_dim3A_81, %lt3A_731 : vector<16xi32>
        %add3A_733 = arith.constant 16 : i32
        %add3A_734 = vector.broadcast %add3A_733 : i32 to vector<16xi32>
        %add3A_735 = arith.addi %broadcast_in_dim3A_81, %add3A_734 : vector<16xi32>
        %select_n3A_736 = arith.select %lt3A_732, %add3A_735, %broadcast_in_dim3A_81 : vector<16xi1>, vector<16xi32>
        %reshape3A_737 = vector.shape_cast %select_n3A_736 : vector<16xi32> to vector<16x1xi32>
        %gather3A_738 = vector.shape_cast %reshape3A_737 : vector<16x1xi32> to vector<16xi32>
        %gather3A_739 = tpu.dynamic_gather %gather3A_623[%gather3A_738] in [0] : vector<16xf32>, vector<16xi32> -> vector<16xf32>
        %mul3A_740 = arith.mulf %gather3A_739, %add3A_634 : vector<16xf32>
        %add3A_741 = arith.addf %scan3A_590, %mul3A_740 : vector<16xf32>
        %mul3A_742 = arith.mulf %gather3A_739, %add3A_645 : vector<16xf32>
        %add3A_743 = arith.addf %scan3A_602, %mul3A_742 : vector<16xf32>
        %lt3A_744 = arith.constant 0 : i32
        %lt3A_745 = vector.broadcast %lt3A_744 : i32 to vector<16xi32>
        %lt3A_746 = arith.cmpi slt, %broadcast_in_dim3A_83, %lt3A_745 : vector<16xi32>
        %add3A_747 = arith.constant 16 : i32
        %add3A_748 = vector.broadcast %add3A_747 : i32 to vector<16xi32>
        %add3A_749 = arith.addi %broadcast_in_dim3A_83, %add3A_748 : vector<16xi32>
        %select_n3A_750 = arith.select %lt3A_746, %add3A_749, %broadcast_in_dim3A_83 : vector<16xi1>, vector<16xi32>
        %reshape3A_751 = vector.shape_cast %select_n3A_750 : vector<16xi32> to vector<16x1xi32>
        %gather3A_752 = vector.shape_cast %reshape3A_751 : vector<16x1xi32> to vector<16xi32>
        %gather3A_753 = tpu.dynamic_gather %gather3A_623[%gather3A_752] in [0] : vector<16xf32>, vector<16xi32> -> vector<16xf32>
        %mul3A_754 = arith.mulf %gather3A_753, %add3A_634 : vector<16xf32>
        %add3A_755 = arith.addf %scan3A_591, %mul3A_754 : vector<16xf32>
        %mul3A_756 = arith.mulf %gather3A_753, %add3A_645 : vector<16xf32>
        %add3A_757 = arith.addf %scan3A_603, %mul3A_756 : vector<16xf32>
        %lt3A_758 = arith.constant 0 : i32
        %lt3A_759 = vector.broadcast %lt3A_758 : i32 to vector<16xi32>
        %lt3A_760 = arith.cmpi slt, %broadcast_in_dim3A_85, %lt3A_759 : vector<16xi32>
        %add3A_761 = arith.constant 16 : i32
        %add3A_762 = vector.broadcast %add3A_761 : i32 to vector<16xi32>
        %add3A_763 = arith.addi %broadcast_in_dim3A_85, %add3A_762 : vector<16xi32>
        %select_n3A_764 = arith.select %lt3A_760, %add3A_763, %broadcast_in_dim3A_85 : vector<16xi1>, vector<16xi32>
        %reshape3A_765 = vector.shape_cast %select_n3A_764 : vector<16xi32> to vector<16x1xi32>
        %gather3A_766 = vector.shape_cast %reshape3A_765 : vector<16x1xi32> to vector<16xi32>
        %gather3A_767 = tpu.dynamic_gather %gather3A_623[%gather3A_766] in [0] : vector<16xf32>, vector<16xi32> -> vector<16xf32>
        %mul3A_768 = arith.mulf %gather3A_767, %add3A_634 : vector<16xf32>
        %add3A_769 = arith.addf %scan3A_592, %mul3A_768 : vector<16xf32>
        %mul3A_770 = arith.mulf %gather3A_767, %add3A_645 : vector<16xf32>
        %add3A_771 = arith.addf %scan3A_604, %mul3A_770 : vector<16xf32>
        %lt3A_772 = arith.constant 0 : i32
        %lt3A_773 = vector.broadcast %lt3A_772 : i32 to vector<16xi32>
        %lt3A_774 = arith.cmpi slt, %broadcast_in_dim3A_87, %lt3A_773 : vector<16xi32>
        %add3A_775 = arith.constant 16 : i32
        %add3A_776 = vector.broadcast %add3A_775 : i32 to vector<16xi32>
        %add3A_777 = arith.addi %broadcast_in_dim3A_87, %add3A_776 : vector<16xi32>
        %select_n3A_778 = arith.select %lt3A_774, %add3A_777, %broadcast_in_dim3A_87 : vector<16xi1>, vector<16xi32>
        %reshape3A_779 = vector.shape_cast %select_n3A_778 : vector<16xi32> to vector<16x1xi32>
        %gather3A_780 = vector.shape_cast %reshape3A_779 : vector<16x1xi32> to vector<16xi32>
        %gather3A_781 = tpu.dynamic_gather %gather3A_623[%gather3A_780] in [0] : vector<16xf32>, vector<16xi32> -> vector<16xf32>
        %mul3A_782 = arith.mulf %gather3A_781, %add3A_634 : vector<16xf32>
        %add3A_783 = arith.addf %scan3A_593, %mul3A_782 : vector<16xf32>
        %mul3A_784 = arith.mulf %gather3A_781, %add3A_645 : vector<16xf32>
        %add3A_785 = arith.addf %scan3A_605, %mul3A_784 : vector<16xf32>
        %lt3A_786 = arith.constant 0 : i32
        %lt3A_787 = vector.broadcast %lt3A_786 : i32 to vector<16xi32>
        %lt3A_788 = arith.cmpi slt, %broadcast_in_dim3A_89, %lt3A_787 : vector<16xi32>
        %add3A_789 = arith.constant 16 : i32
        %add3A_790 = vector.broadcast %add3A_789 : i32 to vector<16xi32>
        %add3A_791 = arith.addi %broadcast_in_dim3A_89, %add3A_790 : vector<16xi32>
        %select_n3A_792 = arith.select %lt3A_788, %add3A_791, %broadcast_in_dim3A_89 : vector<16xi1>, vector<16xi32>
        %reshape3A_793 = vector.shape_cast %select_n3A_792 : vector<16xi32> to vector<16x1xi32>
        %gather3A_794 = vector.shape_cast %reshape3A_793 : vector<16x1xi32> to vector<16xi32>
        %gather3A_795 = tpu.dynamic_gather %gather3A_623[%gather3A_794] in [0] : vector<16xf32>, vector<16xi32> -> vector<16xf32>
        %mul3A_796 = arith.mulf %gather3A_795, %add3A_634 : vector<16xf32>
        %add3A_797 = arith.addf %scan3A_594, %mul3A_796 : vector<16xf32>
        %mul3A_798 = arith.mulf %gather3A_795, %add3A_645 : vector<16xf32>
        %add3A_799 = arith.addf %scan3A_606, %mul3A_798 : vector<16xf32>
        %lt3A_800 = arith.constant 0 : i32
        %lt3A_801 = vector.broadcast %lt3A_800 : i32 to vector<16xi32>
        %lt3A_802 = arith.cmpi slt, %broadcast_in_dim3A_91, %lt3A_801 : vector<16xi32>
        %add3A_803 = arith.constant 16 : i32
        %add3A_804 = vector.broadcast %add3A_803 : i32 to vector<16xi32>
        %add3A_805 = arith.addi %broadcast_in_dim3A_91, %add3A_804 : vector<16xi32>
        %select_n3A_806 = arith.select %lt3A_802, %add3A_805, %broadcast_in_dim3A_91 : vector<16xi1>, vector<16xi32>
        %reshape3A_807 = vector.shape_cast %select_n3A_806 : vector<16xi32> to vector<16x1xi32>
        %gather3A_808 = vector.shape_cast %reshape3A_807 : vector<16x1xi32> to vector<16xi32>
        %gather3A_809 = tpu.dynamic_gather %gather3A_623[%gather3A_808] in [0] : vector<16xf32>, vector<16xi32> -> vector<16xf32>
        %mul3A_810 = arith.mulf %gather3A_809, %add3A_634 : vector<16xf32>
        %add3A_811 = arith.addf %scan3A_595, %mul3A_810 : vector<16xf32>
        %mul3A_812 = arith.mulf %gather3A_809, %add3A_645 : vector<16xf32>
        %add3A_813 = arith.addf %scan3A_607, %mul3A_812 : vector<16xf32>
        %mul3A_814 = arith.constant 64 : i32
        %mul3A_815 = vector.broadcast %mul3A_814 : i32 to vector<16xi32>
        %mul3A_816 = arith.muli %mul3A_611, %mul3A_815 : vector<16xi32>
        %add3A_817 = arith.constant 2064 : i32
        %add3A_818 = vector.broadcast %add3A_817 : i32 to vector<16xi32>
        %add3A_819 = arith.addi %mul3A_816, %add3A_818 : vector<16xi32>
        %add3A_820 = arith.addi %add3A_819, %iota3A : vector<16xi32>
        %gather3A_821 = tpu.vector_load_idx %arg6[%add3A_820] : memref<2832xf32, #tpu.memory_space<vmem>>[vector<16xi32>], vector<16xf32>,
        %add3A_822 = arith.constant 1 : i32
        %add3A_823 = vector.broadcast %add3A_822 : i32 to vector<16xi32>
        %add3A_824 = arith.addi %mul3A_131, %add3A_823 : vector<16xi32>
        %gather3A_825 = tpu.vector_load_idx %arg6[%add3A_824] : memref<2832xf32, #tpu.memory_space<vmem>>[vector<16xi32>], vector<16xf32>,
        %add3A_826 = arith.constant 1 : i32
        %add3A_827 = vector.broadcast %add3A_826 : i32 to vector<16xi32>
        %add3A_828 = arith.addi %mul3A_137, %add3A_827 : vector<16xi32>
        %gather3A_829 = tpu.vector_load_idx %arg6[%add3A_828] : memref<2832xf32, #tpu.memory_space<vmem>>[vector<16xi32>], vector<16xf32>,
        %mul3A_830 = arith.mulf %gather3A_825, %gather3A_614 : vector<16xf32>
        %mul3A_831 = arith.mulf %gather3A_829, %gather3A_612 : vector<16xf32>
        %add3A_832 = arith.addf %mul3A_830, %mul3A_831 : vector<16xf32>
        %add3A_833 = arith.constant 1 : i32
        %add3A_834 = vector.broadcast %add3A_833 : i32 to vector<16xi32>
        %add3A_835 = arith.addi %mul3A_169, %add3A_834 : vector<16xi32>
        %gather3A_836 = tpu.vector_load_idx %arg6[%add3A_835] : memref<2832xf32, #tpu.memory_space<vmem>>[vector<16xi32>], vector<16xf32>,
        %add3A_837 = arith.constant 1 : i32
        %add3A_838 = vector.broadcast %add3A_837 : i32 to vector<16xi32>
        %add3A_839 = arith.addi %mul3A_175, %add3A_838 : vector<16xi32>
        %gather3A_840 = tpu.vector_load_idx %arg6[%add3A_839] : memref<2832xf32, #tpu.memory_space<vmem>>[vector<16xi32>], vector<16xf32>,
        %mul3A_841 = arith.mulf %gather3A_836, %gather3A_615 : vector<16xf32>
        %mul3A_842 = arith.mulf %gather3A_840, %gather3A_613 : vector<16xf32>
        %add3A_843 = arith.addf %mul3A_841, %mul3A_842 : vector<16xf32>
        %lt3A_844 = arith.constant 0 : i32
        %lt3A_845 = vector.broadcast %lt3A_844 : i32 to vector<16xi32>
        %lt3A_846 = arith.cmpi slt, %broadcast_in_dim3A_69, %lt3A_845 : vector<16xi32>
        %add3A_847 = arith.constant 16 : i32
        %add3A_848 = vector.broadcast %add3A_847 : i32 to vector<16xi32>
        %add3A_849 = arith.addi %broadcast_in_dim3A_69, %add3A_848 : vector<16xi32>
        %select_n3A_850 = arith.select %lt3A_846, %add3A_849, %broadcast_in_dim3A_69 : vector<16xi1>, vector<16xi32>
        %reshape3A_851 = vector.shape_cast %select_n3A_850 : vector<16xi32> to vector<16x1xi32>
        %gather3A_852 = vector.shape_cast %reshape3A_851 : vector<16x1xi32> to vector<16xi32>
        %gather3A_853 = tpu.dynamic_gather %gather3A_821[%gather3A_852] in [0] : vector<16xf32>, vector<16xi32> -> vector<16xf32>
        %mul3A_854 = arith.mulf %gather3A_853, %add3A_832 : vector<16xf32>
        %add3A_855 = arith.addf %add3A_657, %mul3A_854 : vector<16xf32>
        %mul3A_856 = arith.mulf %gather3A_853, %add3A_843 : vector<16xf32>
        %add3A_857 = arith.addf %add3A_659, %mul3A_856 : vector<16xf32>
        %lt3A_858 = arith.constant 0 : i32
        %lt3A_859 = vector.broadcast %lt3A_858 : i32 to vector<16xi32>
        %lt3A_860 = arith.cmpi slt, %broadcast_in_dim3A_71, %lt3A_859 : vector<16xi32>
        %add3A_861 = arith.constant 16 : i32
        %add3A_862 = vector.broadcast %add3A_861 : i32 to vector<16xi32>
        %add3A_863 = arith.addi %broadcast_in_dim3A_71, %add3A_862 : vector<16xi32>
        %select_n3A_864 = arith.select %lt3A_860, %add3A_863, %broadcast_in_dim3A_71 : vector<16xi1>, vector<16xi32>
        %reshape3A_865 = vector.shape_cast %select_n3A_864 : vector<16xi32> to vector<16x1xi32>
        %gather3A_866 = vector.shape_cast %reshape3A_865 : vector<16x1xi32> to vector<16xi32>
        %gather3A_867 = tpu.dynamic_gather %gather3A_821[%gather3A_866] in [0] : vector<16xf32>, vector<16xi32> -> vector<16xf32>
        %mul3A_868 = arith.mulf %gather3A_867, %add3A_832 : vector<16xf32>
        %add3A_869 = arith.addf %add3A_671, %mul3A_868 : vector<16xf32>
        %mul3A_870 = arith.mulf %gather3A_867, %add3A_843 : vector<16xf32>
        %add3A_871 = arith.addf %add3A_673, %mul3A_870 : vector<16xf32>
        %lt3A_872 = arith.constant 0 : i32
        %lt3A_873 = vector.broadcast %lt3A_872 : i32 to vector<16xi32>
        %lt3A_874 = arith.cmpi slt, %broadcast_in_dim3A_73, %lt3A_873 : vector<16xi32>
        %add3A_875 = arith.constant 16 : i32
        %add3A_876 = vector.broadcast %add3A_875 : i32 to vector<16xi32>
        %add3A_877 = arith.addi %broadcast_in_dim3A_73, %add3A_876 : vector<16xi32>
        %select_n3A_878 = arith.select %lt3A_874, %add3A_877, %broadcast_in_dim3A_73 : vector<16xi1>, vector<16xi32>
        %reshape3A_879 = vector.shape_cast %select_n3A_878 : vector<16xi32> to vector<16x1xi32>
        %gather3A_880 = vector.shape_cast %reshape3A_879 : vector<16x1xi32> to vector<16xi32>
        %gather3A_881 = tpu.dynamic_gather %gather3A_821[%gather3A_880] in [0] : vector<16xf32>, vector<16xi32> -> vector<16xf32>
        %mul3A_882 = arith.mulf %gather3A_881, %add3A_832 : vector<16xf32>
        %add3A_883 = arith.addf %add3A_685, %mul3A_882 : vector<16xf32>
        %mul3A_884 = arith.mulf %gather3A_881, %add3A_843 : vector<16xf32>
        %add3A_885 = arith.addf %add3A_687, %mul3A_884 : vector<16xf32>
        %lt3A_886 = arith.constant 0 : i32
        %lt3A_887 = vector.broadcast %lt3A_886 : i32 to vector<16xi32>
        %lt3A_888 = arith.cmpi slt, %broadcast_in_dim3A_75, %lt3A_887 : vector<16xi32>
        %add3A_889 = arith.constant 16 : i32
        %add3A_890 = vector.broadcast %add3A_889 : i32 to vector<16xi32>
        %add3A_891 = arith.addi %broadcast_in_dim3A_75, %add3A_890 : vector<16xi32>
        %select_n3A_892 = arith.select %lt3A_888, %add3A_891, %broadcast_in_dim3A_75 : vector<16xi1>, vector<16xi32>
        %reshape3A_893 = vector.shape_cast %select_n3A_892 : vector<16xi32> to vector<16x1xi32>
        %gather3A_894 = vector.shape_cast %reshape3A_893 : vector<16x1xi32> to vector<16xi32>
        %gather3A_895 = tpu.dynamic_gather %gather3A_821[%gather3A_894] in [0] : vector<16xf32>, vector<16xi32> -> vector<16xf32>
        %mul3A_896 = arith.mulf %gather3A_895, %add3A_832 : vector<16xf32>
        %add3A_897 = arith.addf %add3A_699, %mul3A_896 : vector<16xf32>
        %mul3A_898 = arith.mulf %gather3A_895, %add3A_843 : vector<16xf32>
        %add3A_899 = arith.addf %add3A_701, %mul3A_898 : vector<16xf32>
        %lt3A_900 = arith.constant 0 : i32
        %lt3A_901 = vector.broadcast %lt3A_900 : i32 to vector<16xi32>
        %lt3A_902 = arith.cmpi slt, %broadcast_in_dim3A_77, %lt3A_901 : vector<16xi32>
        %add3A_903 = arith.constant 16 : i32
        %add3A_904 = vector.broadcast %add3A_903 : i32 to vector<16xi32>
        %add3A_905 = arith.addi %broadcast_in_dim3A_77, %add3A_904 : vector<16xi32>
        %select_n3A_906 = arith.select %lt3A_902, %add3A_905, %broadcast_in_dim3A_77 : vector<16xi1>, vector<16xi32>
        %reshape3A_907 = vector.shape_cast %select_n3A_906 : vector<16xi32> to vector<16x1xi32>
        %gather3A_908 = vector.shape_cast %reshape3A_907 : vector<16x1xi32> to vector<16xi32>
        %gather3A_909 = tpu.dynamic_gather %gather3A_821[%gather3A_908] in [0] : vector<16xf32>, vector<16xi32> -> vector<16xf32>
        %mul3A_910 = arith.mulf %gather3A_909, %add3A_832 : vector<16xf32>
        %add3A_911 = arith.addf %add3A_713, %mul3A_910 : vector<16xf32>
        %mul3A_912 = arith.mulf %gather3A_909, %add3A_843 : vector<16xf32>
        %add3A_913 = arith.addf %add3A_715, %mul3A_912 : vector<16xf32>
        %lt3A_914 = arith.constant 0 : i32
        %lt3A_915 = vector.broadcast %lt3A_914 : i32 to vector<16xi32>
        %lt3A_916 = arith.cmpi slt, %broadcast_in_dim3A_79, %lt3A_915 : vector<16xi32>
        %add3A_917 = arith.constant 16 : i32
        %add3A_918 = vector.broadcast %add3A_917 : i32 to vector<16xi32>
        %add3A_919 = arith.addi %broadcast_in_dim3A_79, %add3A_918 : vector<16xi32>
        %select_n3A_920 = arith.select %lt3A_916, %add3A_919, %broadcast_in_dim3A_79 : vector<16xi1>, vector<16xi32>
        %reshape3A_921 = vector.shape_cast %select_n3A_920 : vector<16xi32> to vector<16x1xi32>
        %gather3A_922 = vector.shape_cast %reshape3A_921 : vector<16x1xi32> to vector<16xi32>
        %gather3A_923 = tpu.dynamic_gather %gather3A_821[%gather3A_922] in [0] : vector<16xf32>, vector<16xi32> -> vector<16xf32>
        %mul3A_924 = arith.mulf %gather3A_923, %add3A_832 : vector<16xf32>
        %add3A_925 = arith.addf %add3A_727, %mul3A_924 : vector<16xf32>
        %mul3A_926 = arith.mulf %gather3A_923, %add3A_843 : vector<16xf32>
        %add3A_927 = arith.addf %add3A_729, %mul3A_926 : vector<16xf32>
        %lt3A_928 = arith.constant 0 : i32
        %lt3A_929 = vector.broadcast %lt3A_928 : i32 to vector<16xi32>
        %lt3A_930 = arith.cmpi slt, %broadcast_in_dim3A_81, %lt3A_929 : vector<16xi32>
        %add3A_931 = arith.constant 16 : i32
        %add3A_932 = vector.broadcast %add3A_931 : i32 to vector<16xi32>
        %add3A_933 = arith.addi %broadcast_in_dim3A_81, %add3A_932 : vector<16xi32>
        %select_n3A_934 = arith.select %lt3A_930, %add3A_933, %broadcast_in_dim3A_81 : vector<16xi1>, vector<16xi32>
        %reshape3A_935 = vector.shape_cast %select_n3A_934 : vector<16xi32> to vector<16x1xi32>
        %gather3A_936 = vector.shape_cast %reshape3A_935 : vector<16x1xi32> to vector<16xi32>
        %gather3A_937 = tpu.dynamic_gather %gather3A_821[%gather3A_936] in [0] : vector<16xf32>, vector<16xi32> -> vector<16xf32>
        %mul3A_938 = arith.mulf %gather3A_937, %add3A_832 : vector<16xf32>
        %add3A_939 = arith.addf %add3A_741, %mul3A_938 : vector<16xf32>
        %mul3A_940 = arith.mulf %gather3A_937, %add3A_843 : vector<16xf32>
        %add3A_941 = arith.addf %add3A_743, %mul3A_940 : vector<16xf32>
        %lt3A_942 = arith.constant 0 : i32
        %lt3A_943 = vector.broadcast %lt3A_942 : i32 to vector<16xi32>
        %lt3A_944 = arith.cmpi slt, %broadcast_in_dim3A_83, %lt3A_943 : vector<16xi32>
        %add3A_945 = arith.constant 16 : i32
        %add3A_946 = vector.broadcast %add3A_945 : i32 to vector<16xi32>
        %add3A_947 = arith.addi %broadcast_in_dim3A_83, %add3A_946 : vector<16xi32>
        %select_n3A_948 = arith.select %lt3A_944, %add3A_947, %broadcast_in_dim3A_83 : vector<16xi1>, vector<16xi32>
        %reshape3A_949 = vector.shape_cast %select_n3A_948 : vector<16xi32> to vector<16x1xi32>
        %gather3A_950 = vector.shape_cast %reshape3A_949 : vector<16x1xi32> to vector<16xi32>
        %gather3A_951 = tpu.dynamic_gather %gather3A_821[%gather3A_950] in [0] : vector<16xf32>, vector<16xi32> -> vector<16xf32>
        %mul3A_952 = arith.mulf %gather3A_951, %add3A_832 : vector<16xf32>
        %add3A_953 = arith.addf %add3A_755, %mul3A_952 : vector<16xf32>
        %mul3A_954 = arith.mulf %gather3A_951, %add3A_843 : vector<16xf32>
        %add3A_955 = arith.addf %add3A_757, %mul3A_954 : vector<16xf32>
        %lt3A_956 = arith.constant 0 : i32
        %lt3A_957 = vector.broadcast %lt3A_956 : i32 to vector<16xi32>
        %lt3A_958 = arith.cmpi slt, %broadcast_in_dim3A_85, %lt3A_957 : vector<16xi32>
        %add3A_959 = arith.constant 16 : i32
        %add3A_960 = vector.broadcast %add3A_959 : i32 to vector<16xi32>
        %add3A_961 = arith.addi %broadcast_in_dim3A_85, %add3A_960 : vector<16xi32>
        %select_n3A_962 = arith.select %lt3A_958, %add3A_961, %broadcast_in_dim3A_85 : vector<16xi1>, vector<16xi32>
        %reshape3A_963 = vector.shape_cast %select_n3A_962 : vector<16xi32> to vector<16x1xi32>
        %gather3A_964 = vector.shape_cast %reshape3A_963 : vector<16x1xi32> to vector<16xi32>
        %gather3A_965 = tpu.dynamic_gather %gather3A_821[%gather3A_964] in [0] : vector<16xf32>, vector<16xi32> -> vector<16xf32>
        %mul3A_966 = arith.mulf %gather3A_965, %add3A_832 : vector<16xf32>
        %add3A_967 = arith.addf %add3A_769, %mul3A_966 : vector<16xf32>
        %mul3A_968 = arith.mulf %gather3A_965, %add3A_843 : vector<16xf32>
        %add3A_969 = arith.addf %add3A_771, %mul3A_968 : vector<16xf32>
        %lt3A_970 = arith.constant 0 : i32
        %lt3A_971 = vector.broadcast %lt3A_970 : i32 to vector<16xi32>
        %lt3A_972 = arith.cmpi slt, %broadcast_in_dim3A_87, %lt3A_971 : vector<16xi32>
        %add3A_973 = arith.constant 16 : i32
        %add3A_974 = vector.broadcast %add3A_973 : i32 to vector<16xi32>
        %add3A_975 = arith.addi %broadcast_in_dim3A_87, %add3A_974 : vector<16xi32>
        %select_n3A_976 = arith.select %lt3A_972, %add3A_975, %broadcast_in_dim3A_87 : vector<16xi1>, vector<16xi32>
        %reshape3A_977 = vector.shape_cast %select_n3A_976 : vector<16xi32> to vector<16x1xi32>
        %gather3A_978 = vector.shape_cast %reshape3A_977 : vector<16x1xi32> to vector<16xi32>
        %gather3A_979 = tpu.dynamic_gather %gather3A_821[%gather3A_978] in [0] : vector<16xf32>, vector<16xi32> -> vector<16xf32>
        %mul3A_980 = arith.mulf %gather3A_979, %add3A_832 : vector<16xf32>
        %add3A_981 = arith.addf %add3A_783, %mul3A_980 : vector<16xf32>
        %mul3A_982 = arith.mulf %gather3A_979, %add3A_843 : vector<16xf32>
        %add3A_983 = arith.addf %add3A_785, %mul3A_982 : vector<16xf32>
        %lt3A_984 = arith.constant 0 : i32
        %lt3A_985 = vector.broadcast %lt3A_984 : i32 to vector<16xi32>
        %lt3A_986 = arith.cmpi slt, %broadcast_in_dim3A_89, %lt3A_985 : vector<16xi32>
        %add3A_987 = arith.constant 16 : i32
        %add3A_988 = vector.broadcast %add3A_987 : i32 to vector<16xi32>
        %add3A_989 = arith.addi %broadcast_in_dim3A_89, %add3A_988 : vector<16xi32>
        %select_n3A_990 = arith.select %lt3A_986, %add3A_989, %broadcast_in_dim3A_89 : vector<16xi1>, vector<16xi32>
        %reshape3A_991 = vector.shape_cast %select_n3A_990 : vector<16xi32> to vector<16x1xi32>
        %gather3A_992 = vector.shape_cast %reshape3A_991 : vector<16x1xi32> to vector<16xi32>
        %gather3A_993 = tpu.dynamic_gather %gather3A_821[%gather3A_992] in [0] : vector<16xf32>, vector<16xi32> -> vector<16xf32>
        %mul3A_994 = arith.mulf %gather3A_993, %add3A_832 : vector<16xf32>
        %add3A_995 = arith.addf %add3A_797, %mul3A_994 : vector<16xf32>
        %mul3A_996 = arith.mulf %gather3A_993, %add3A_843 : vector<16xf32>
        %add3A_997 = arith.addf %add3A_799, %mul3A_996 : vector<16xf32>
        %lt3A_998 = arith.constant 0 : i32
        %lt3A_999 = vector.broadcast %lt3A_998 : i32 to vector<16xi32>
        %lt3A_1000 = arith.cmpi slt, %broadcast_in_dim3A_91, %lt3A_999 : vector<16xi32>
        %add3A_1001 = arith.constant 16 : i32
        %add3A_1002 = vector.broadcast %add3A_1001 : i32 to vector<16xi32>
        %add3A_1003 = arith.addi %broadcast_in_dim3A_91, %add3A_1002 : vector<16xi32>
        %select_n3A_1004 = arith.select %lt3A_1000, %add3A_1003, %broadcast_in_dim3A_91 : vector<16xi1>, vector<16xi32>
        %reshape3A_1005 = vector.shape_cast %select_n3A_1004 : vector<16xi32> to vector<16x1xi32>
        %gather3A_1006 = vector.shape_cast %reshape3A_1005 : vector<16x1xi32> to vector<16xi32>
        %gather3A_1007 = tpu.dynamic_gather %gather3A_821[%gather3A_1006] in [0] : vector<16xf32>, vector<16xi32> -> vector<16xf32>
        %mul3A_1008 = arith.mulf %gather3A_1007, %add3A_832 : vector<16xf32>
        %add3A_1009 = arith.addf %add3A_811, %mul3A_1008 : vector<16xf32>
        %mul3A_1010 = arith.mulf %gather3A_1007, %add3A_843 : vector<16xf32>
        %add3A_1011 = arith.addf %add3A_813, %mul3A_1010 : vector<16xf32>
        %mul3A_1012 = arith.constant 64 : i32
        %mul3A_1013 = vector.broadcast %mul3A_1012 : i32 to vector<16xi32>
        %mul3A_1014 = arith.muli %mul3A_611, %mul3A_1013 : vector<16xi32>
        %add3A_1015 = arith.constant 2080 : i32
        %add3A_1016 = vector.broadcast %add3A_1015 : i32 to vector<16xi32>
        %add3A_1017 = arith.addi %mul3A_1014, %add3A_1016 : vector<16xi32>
        %add3A_1018 = arith.addi %add3A_1017, %iota3A : vector<16xi32>
        %gather3A_1019 = tpu.vector_load_idx %arg6[%add3A_1018] : memref<2832xf32, #tpu.memory_space<vmem>>[vector<16xi32>], vector<16xf32>,
        %add3A_1020 = arith.constant 2 : i32
        %add3A_1021 = vector.broadcast %add3A_1020 : i32 to vector<16xi32>
        %add3A_1022 = arith.addi %mul3A_131, %add3A_1021 : vector<16xi32>
        %gather3A_1023 = tpu.vector_load_idx %arg6[%add3A_1022] : memref<2832xf32, #tpu.memory_space<vmem>>[vector<16xi32>], vector<16xf32>,
        %add3A_1024 = arith.constant 2 : i32
        %add3A_1025 = vector.broadcast %add3A_1024 : i32 to vector<16xi32>
        %add3A_1026 = arith.addi %mul3A_137, %add3A_1025 : vector<16xi32>
        %gather3A_1027 = tpu.vector_load_idx %arg6[%add3A_1026] : memref<2832xf32, #tpu.memory_space<vmem>>[vector<16xi32>], vector<16xf32>,
        %mul3A_1028 = arith.mulf %gather3A_1023, %gather3A_614 : vector<16xf32>
        %mul3A_1029 = arith.mulf %gather3A_1027, %gather3A_612 : vector<16xf32>
        %add3A_1030 = arith.addf %mul3A_1028, %mul3A_1029 : vector<16xf32>
        %add3A_1031 = arith.constant 2 : i32
        %add3A_1032 = vector.broadcast %add3A_1031 : i32 to vector<16xi32>
        %add3A_1033 = arith.addi %mul3A_169, %add3A_1032 : vector<16xi32>
        %gather3A_1034 = tpu.vector_load_idx %arg6[%add3A_1033] : memref<2832xf32, #tpu.memory_space<vmem>>[vector<16xi32>], vector<16xf32>,
        %add3A_1035 = arith.constant 2 : i32
        %add3A_1036 = vector.broadcast %add3A_1035 : i32 to vector<16xi32>
        %add3A_1037 = arith.addi %mul3A_175, %add3A_1036 : vector<16xi32>
        %gather3A_1038 = tpu.vector_load_idx %arg6[%add3A_1037] : memref<2832xf32, #tpu.memory_space<vmem>>[vector<16xi32>], vector<16xf32>,
        %mul3A_1039 = arith.mulf %gather3A_1034, %gather3A_615 : vector<16xf32>
        %mul3A_1040 = arith.mulf %gather3A_1038, %gather3A_613 : vector<16xf32>
        %add3A_1041 = arith.addf %mul3A_1039, %mul3A_1040 : vector<16xf32>
        %lt3A_1042 = arith.constant 0 : i32
        %lt3A_1043 = vector.broadcast %lt3A_1042 : i32 to vector<16xi32>
        %lt3A_1044 = arith.cmpi slt, %broadcast_in_dim3A_69, %lt3A_1043 : vector<16xi32>
        %add3A_1045 = arith.constant 16 : i32
        %add3A_1046 = vector.broadcast %add3A_1045 : i32 to vector<16xi32>
        %add3A_1047 = arith.addi %broadcast_in_dim3A_69, %add3A_1046 : vector<16xi32>
        %select_n3A_1048 = arith.select %lt3A_1044, %add3A_1047, %broadcast_in_dim3A_69 : vector<16xi1>, vector<16xi32>
        %reshape3A_1049 = vector.shape_cast %select_n3A_1048 : vector<16xi32> to vector<16x1xi32>
        %gather3A_1050 = vector.shape_cast %reshape3A_1049 : vector<16x1xi32> to vector<16xi32>
        %gather3A_1051 = tpu.dynamic_gather %gather3A_1019[%gather3A_1050] in [0] : vector<16xf32>, vector<16xi32> -> vector<16xf32>
        %mul3A_1052 = arith.mulf %gather3A_1051, %add3A_1030 : vector<16xf32>
        %add3A_1053 = arith.addf %add3A_855, %mul3A_1052 : vector<16xf32>
        %mul3A_1054 = arith.mulf %gather3A_1051, %add3A_1041 : vector<16xf32>
        %add3A_1055 = arith.addf %add3A_857, %mul3A_1054 : vector<16xf32>
        %lt3A_1056 = arith.constant 0 : i32
        %lt3A_1057 = vector.broadcast %lt3A_1056 : i32 to vector<16xi32>
        %lt3A_1058 = arith.cmpi slt, %broadcast_in_dim3A_71, %lt3A_1057 : vector<16xi32>
        %add3A_1059 = arith.constant 16 : i32
        %add3A_1060 = vector.broadcast %add3A_1059 : i32 to vector<16xi32>
        %add3A_1061 = arith.addi %broadcast_in_dim3A_71, %add3A_1060 : vector<16xi32>
        %select_n3A_1062 = arith.select %lt3A_1058, %add3A_1061, %broadcast_in_dim3A_71 : vector<16xi1>, vector<16xi32>
        %reshape3A_1063 = vector.shape_cast %select_n3A_1062 : vector<16xi32> to vector<16x1xi32>
        %gather3A_1064 = vector.shape_cast %reshape3A_1063 : vector<16x1xi32> to vector<16xi32>
        %gather3A_1065 = tpu.dynamic_gather %gather3A_1019[%gather3A_1064] in [0] : vector<16xf32>, vector<16xi32> -> vector<16xf32>
        %mul3A_1066 = arith.mulf %gather3A_1065, %add3A_1030 : vector<16xf32>
        %add3A_1067 = arith.addf %add3A_869, %mul3A_1066 : vector<16xf32>
        %mul3A_1068 = arith.mulf %gather3A_1065, %add3A_1041 : vector<16xf32>
        %add3A_1069 = arith.addf %add3A_871, %mul3A_1068 : vector<16xf32>
        %lt3A_1070 = arith.constant 0 : i32
        %lt3A_1071 = vector.broadcast %lt3A_1070 : i32 to vector<16xi32>
        %lt3A_1072 = arith.cmpi slt, %broadcast_in_dim3A_73, %lt3A_1071 : vector<16xi32>
        %add3A_1073 = arith.constant 16 : i32
        %add3A_1074 = vector.broadcast %add3A_1073 : i32 to vector<16xi32>
        %add3A_1075 = arith.addi %broadcast_in_dim3A_73, %add3A_1074 : vector<16xi32>
        %select_n3A_1076 = arith.select %lt3A_1072, %add3A_1075, %broadcast_in_dim3A_73 : vector<16xi1>, vector<16xi32>
        %reshape3A_1077 = vector.shape_cast %select_n3A_1076 : vector<16xi32> to vector<16x1xi32>
        %gather3A_1078 = vector.shape_cast %reshape3A_1077 : vector<16x1xi32> to vector<16xi32>
        %gather3A_1079 = tpu.dynamic_gather %gather3A_1019[%gather3A_1078] in [0] : vector<16xf32>, vector<16xi32> -> vector<16xf32>
        %mul3A_1080 = arith.mulf %gather3A_1079, %add3A_1030 : vector<16xf32>
        %add3A_1081 = arith.addf %add3A_883, %mul3A_1080 : vector<16xf32>
        %mul3A_1082 = arith.mulf %gather3A_1079, %add3A_1041 : vector<16xf32>
        %add3A_1083 = arith.addf %add3A_885, %mul3A_1082 : vector<16xf32>
        %lt3A_1084 = arith.constant 0 : i32
        %lt3A_1085 = vector.broadcast %lt3A_1084 : i32 to vector<16xi32>
        %lt3A_1086 = arith.cmpi slt, %broadcast_in_dim3A_75, %lt3A_1085 : vector<16xi32>
        %add3A_1087 = arith.constant 16 : i32
        %add3A_1088 = vector.broadcast %add3A_1087 : i32 to vector<16xi32>
        %add3A_1089 = arith.addi %broadcast_in_dim3A_75, %add3A_1088 : vector<16xi32>
        %select_n3A_1090 = arith.select %lt3A_1086, %add3A_1089, %broadcast_in_dim3A_75 : vector<16xi1>, vector<16xi32>
        %reshape3A_1091 = vector.shape_cast %select_n3A_1090 : vector<16xi32> to vector<16x1xi32>
        %gather3A_1092 = vector.shape_cast %reshape3A_1091 : vector<16x1xi32> to vector<16xi32>
        %gather3A_1093 = tpu.dynamic_gather %gather3A_1019[%gather3A_1092] in [0] : vector<16xf32>, vector<16xi32> -> vector<16xf32>
        %mul3A_1094 = arith.mulf %gather3A_1093, %add3A_1030 : vector<16xf32>
        %add3A_1095 = arith.addf %add3A_897, %mul3A_1094 : vector<16xf32>
        %mul3A_1096 = arith.mulf %gather3A_1093, %add3A_1041 : vector<16xf32>
        %add3A_1097 = arith.addf %add3A_899, %mul3A_1096 : vector<16xf32>
        %lt3A_1098 = arith.constant 0 : i32
        %lt3A_1099 = vector.broadcast %lt3A_1098 : i32 to vector<16xi32>
        %lt3A_1100 = arith.cmpi slt, %broadcast_in_dim3A_77, %lt3A_1099 : vector<16xi32>
        %add3A_1101 = arith.constant 16 : i32
        %add3A_1102 = vector.broadcast %add3A_1101 : i32 to vector<16xi32>
        %add3A_1103 = arith.addi %broadcast_in_dim3A_77, %add3A_1102 : vector<16xi32>
        %select_n3A_1104 = arith.select %lt3A_1100, %add3A_1103, %broadcast_in_dim3A_77 : vector<16xi1>, vector<16xi32>
        %reshape3A_1105 = vector.shape_cast %select_n3A_1104 : vector<16xi32> to vector<16x1xi32>
        %gather3A_1106 = vector.shape_cast %reshape3A_1105 : vector<16x1xi32> to vector<16xi32>
        %gather3A_1107 = tpu.dynamic_gather %gather3A_1019[%gather3A_1106] in [0] : vector<16xf32>, vector<16xi32> -> vector<16xf32>
        %mul3A_1108 = arith.mulf %gather3A_1107, %add3A_1030 : vector<16xf32>
        %add3A_1109 = arith.addf %add3A_911, %mul3A_1108 : vector<16xf32>
        %mul3A_1110 = arith.mulf %gather3A_1107, %add3A_1041 : vector<16xf32>
        %add3A_1111 = arith.addf %add3A_913, %mul3A_1110 : vector<16xf32>
        %lt3A_1112 = arith.constant 0 : i32
        %lt3A_1113 = vector.broadcast %lt3A_1112 : i32 to vector<16xi32>
        %lt3A_1114 = arith.cmpi slt, %broadcast_in_dim3A_79, %lt3A_1113 : vector<16xi32>
        %add3A_1115 = arith.constant 16 : i32
        %add3A_1116 = vector.broadcast %add3A_1115 : i32 to vector<16xi32>
        %add3A_1117 = arith.addi %broadcast_in_dim3A_79, %add3A_1116 : vector<16xi32>
        %select_n3A_1118 = arith.select %lt3A_1114, %add3A_1117, %broadcast_in_dim3A_79 : vector<16xi1>, vector<16xi32>
        %reshape3A_1119 = vector.shape_cast %select_n3A_1118 : vector<16xi32> to vector<16x1xi32>
        %gather3A_1120 = vector.shape_cast %reshape3A_1119 : vector<16x1xi32> to vector<16xi32>
        %gather3A_1121 = tpu.dynamic_gather %gather3A_1019[%gather3A_1120] in [0] : vector<16xf32>, vector<16xi32> -> vector<16xf32>
        %mul3A_1122 = arith.mulf %gather3A_1121, %add3A_1030 : vector<16xf32>
        %add3A_1123 = arith.addf %add3A_925, %mul3A_1122 : vector<16xf32>
        %mul3A_1124 = arith.mulf %gather3A_1121, %add3A_1041 : vector<16xf32>
        %add3A_1125 = arith.addf %add3A_927, %mul3A_1124 : vector<16xf32>
        %lt3A_1126 = arith.constant 0 : i32
        %lt3A_1127 = vector.broadcast %lt3A_1126 : i32 to vector<16xi32>
        %lt3A_1128 = arith.cmpi slt, %broadcast_in_dim3A_81, %lt3A_1127 : vector<16xi32>
        %add3A_1129 = arith.constant 16 : i32
        %add3A_1130 = vector.broadcast %add3A_1129 : i32 to vector<16xi32>
        %add3A_1131 = arith.addi %broadcast_in_dim3A_81, %add3A_1130 : vector<16xi32>
        %select_n3A_1132 = arith.select %lt3A_1128, %add3A_1131, %broadcast_in_dim3A_81 : vector<16xi1>, vector<16xi32>
        %reshape3A_1133 = vector.shape_cast %select_n3A_1132 : vector<16xi32> to vector<16x1xi32>
        %gather3A_1134 = vector.shape_cast %reshape3A_1133 : vector<16x1xi32> to vector<16xi32>
        %gather3A_1135 = tpu.dynamic_gather %gather3A_1019[%gather3A_1134] in [0] : vector<16xf32>, vector<16xi32> -> vector<16xf32>
        %mul3A_1136 = arith.mulf %gather3A_1135, %add3A_1030 : vector<16xf32>
        %add3A_1137 = arith.addf %add3A_939, %mul3A_1136 : vector<16xf32>
        %mul3A_1138 = arith.mulf %gather3A_1135, %add3A_1041 : vector<16xf32>
        %add3A_1139 = arith.addf %add3A_941, %mul3A_1138 : vector<16xf32>
        %lt3A_1140 = arith.constant 0 : i32
        %lt3A_1141 = vector.broadcast %lt3A_1140 : i32 to vector<16xi32>
        %lt3A_1142 = arith.cmpi slt, %broadcast_in_dim3A_83, %lt3A_1141 : vector<16xi32>
        %add3A_1143 = arith.constant 16 : i32
        %add3A_1144 = vector.broadcast %add3A_1143 : i32 to vector<16xi32>
        %add3A_1145 = arith.addi %broadcast_in_dim3A_83, %add3A_1144 : vector<16xi32>
        %select_n3A_1146 = arith.select %lt3A_1142, %add3A_1145, %broadcast_in_dim3A_83 : vector<16xi1>, vector<16xi32>
        %reshape3A_1147 = vector.shape_cast %select_n3A_1146 : vector<16xi32> to vector<16x1xi32>
        %gather3A_1148 = vector.shape_cast %reshape3A_1147 : vector<16x1xi32> to vector<16xi32>
        %gather3A_1149 = tpu.dynamic_gather %gather3A_1019[%gather3A_1148] in [0] : vector<16xf32>, vector<16xi32> -> vector<16xf32>
        %mul3A_1150 = arith.mulf %gather3A_1149, %add3A_1030 : vector<16xf32>
        %add3A_1151 = arith.addf %add3A_953, %mul3A_1150 : vector<16xf32>
        %mul3A_1152 = arith.mulf %gather3A_1149, %add3A_1041 : vector<16xf32>
        %add3A_1153 = arith.addf %add3A_955, %mul3A_1152 : vector<16xf32>
        %lt3A_1154 = arith.constant 0 : i32
        %lt3A_1155 = vector.broadcast %lt3A_1154 : i32 to vector<16xi32>
        %lt3A_1156 = arith.cmpi slt, %broadcast_in_dim3A_85, %lt3A_1155 : vector<16xi32>
        %add3A_1157 = arith.constant 16 : i32
        %add3A_1158 = vector.broadcast %add3A_1157 : i32 to vector<16xi32>
        %add3A_1159 = arith.addi %broadcast_in_dim3A_85, %add3A_1158 : vector<16xi32>
        %select_n3A_1160 = arith.select %lt3A_1156, %add3A_1159, %broadcast_in_dim3A_85 : vector<16xi1>, vector<16xi32>
        %reshape3A_1161 = vector.shape_cast %select_n3A_1160 : vector<16xi32> to vector<16x1xi32>
        %gather3A_1162 = vector.shape_cast %reshape3A_1161 : vector<16x1xi32> to vector<16xi32>
        %gather3A_1163 = tpu.dynamic_gather %gather3A_1019[%gather3A_1162] in [0] : vector<16xf32>, vector<16xi32> -> vector<16xf32>
        %mul3A_1164 = arith.mulf %gather3A_1163, %add3A_1030 : vector<16xf32>
        %add3A_1165 = arith.addf %add3A_967, %mul3A_1164 : vector<16xf32>
        %mul3A_1166 = arith.mulf %gather3A_1163, %add3A_1041 : vector<16xf32>
        %add3A_1167 = arith.addf %add3A_969, %mul3A_1166 : vector<16xf32>
        %lt3A_1168 = arith.constant 0 : i32
        %lt3A_1169 = vector.broadcast %lt3A_1168 : i32 to vector<16xi32>
        %lt3A_1170 = arith.cmpi slt, %broadcast_in_dim3A_87, %lt3A_1169 : vector<16xi32>
        %add3A_1171 = arith.constant 16 : i32
        %add3A_1172 = vector.broadcast %add3A_1171 : i32 to vector<16xi32>
        %add3A_1173 = arith.addi %broadcast_in_dim3A_87, %add3A_1172 : vector<16xi32>
        %select_n3A_1174 = arith.select %lt3A_1170, %add3A_1173, %broadcast_in_dim3A_87 : vector<16xi1>, vector<16xi32>
        %reshape3A_1175 = vector.shape_cast %select_n3A_1174 : vector<16xi32> to vector<16x1xi32>
        %gather3A_1176 = vector.shape_cast %reshape3A_1175 : vector<16x1xi32> to vector<16xi32>
        %gather3A_1177 = tpu.dynamic_gather %gather3A_1019[%gather3A_1176] in [0] : vector<16xf32>, vector<16xi32> -> vector<16xf32>
        %mul3A_1178 = arith.mulf %gather3A_1177, %add3A_1030 : vector<16xf32>
        %add3A_1179 = arith.addf %add3A_981, %mul3A_1178 : vector<16xf32>
        %mul3A_1180 = arith.mulf %gather3A_1177, %add3A_1041 : vector<16xf32>
        %add3A_1181 = arith.addf %add3A_983, %mul3A_1180 : vector<16xf32>
        %lt3A_1182 = arith.constant 0 : i32
        %lt3A_1183 = vector.broadcast %lt3A_1182 : i32 to vector<16xi32>
        %lt3A_1184 = arith.cmpi slt, %broadcast_in_dim3A_89, %lt3A_1183 : vector<16xi32>
        %add3A_1185 = arith.constant 16 : i32
        %add3A_1186 = vector.broadcast %add3A_1185 : i32 to vector<16xi32>
        %add3A_1187 = arith.addi %broadcast_in_dim3A_89, %add3A_1186 : vector<16xi32>
        %select_n3A_1188 = arith.select %lt3A_1184, %add3A_1187, %broadcast_in_dim3A_89 : vector<16xi1>, vector<16xi32>
        %reshape3A_1189 = vector.shape_cast %select_n3A_1188 : vector<16xi32> to vector<16x1xi32>
        %gather3A_1190 = vector.shape_cast %reshape3A_1189 : vector<16x1xi32> to vector<16xi32>
        %gather3A_1191 = tpu.dynamic_gather %gather3A_1019[%gather3A_1190] in [0] : vector<16xf32>, vector<16xi32> -> vector<16xf32>
        %mul3A_1192 = arith.mulf %gather3A_1191, %add3A_1030 : vector<16xf32>
        %add3A_1193 = arith.addf %add3A_995, %mul3A_1192 : vector<16xf32>
        %mul3A_1194 = arith.mulf %gather3A_1191, %add3A_1041 : vector<16xf32>
        %add3A_1195 = arith.addf %add3A_997, %mul3A_1194 : vector<16xf32>
        %lt3A_1196 = arith.constant 0 : i32
        %lt3A_1197 = vector.broadcast %lt3A_1196 : i32 to vector<16xi32>
        %lt3A_1198 = arith.cmpi slt, %broadcast_in_dim3A_91, %lt3A_1197 : vector<16xi32>
        %add3A_1199 = arith.constant 16 : i32
        %add3A_1200 = vector.broadcast %add3A_1199 : i32 to vector<16xi32>
        %add3A_1201 = arith.addi %broadcast_in_dim3A_91, %add3A_1200 : vector<16xi32>
        %select_n3A_1202 = arith.select %lt3A_1198, %add3A_1201, %broadcast_in_dim3A_91 : vector<16xi1>, vector<16xi32>
        %reshape3A_1203 = vector.shape_cast %select_n3A_1202 : vector<16xi32> to vector<16x1xi32>
        %gather3A_1204 = vector.shape_cast %reshape3A_1203 : vector<16x1xi32> to vector<16xi32>
        %gather3A_1205 = tpu.dynamic_gather %gather3A_1019[%gather3A_1204] in [0] : vector<16xf32>, vector<16xi32> -> vector<16xf32>
        %mul3A_1206 = arith.mulf %gather3A_1205, %add3A_1030 : vector<16xf32>
        %add3A_1207 = arith.addf %add3A_1009, %mul3A_1206 : vector<16xf32>
        %mul3A_1208 = arith.mulf %gather3A_1205, %add3A_1041 : vector<16xf32>
        %add3A_1209 = arith.addf %add3A_1011, %mul3A_1208 : vector<16xf32>
        %mul3A_1210 = arith.constant 64 : i32
        %mul3A_1211 = vector.broadcast %mul3A_1210 : i32 to vector<16xi32>
        %mul3A_1212 = arith.muli %mul3A_611, %mul3A_1211 : vector<16xi32>
        %add3A_1213 = arith.constant 2096 : i32
        %add3A_1214 = vector.broadcast %add3A_1213 : i32 to vector<16xi32>
        %add3A_1215 = arith.addi %mul3A_1212, %add3A_1214 : vector<16xi32>
        %add3A_1216 = arith.addi %add3A_1215, %iota3A : vector<16xi32>
        %gather3A_1217 = tpu.vector_load_idx %arg6[%add3A_1216] : memref<2832xf32, #tpu.memory_space<vmem>>[vector<16xi32>], vector<16xf32>,
        %add3A_1218 = arith.constant 3 : i32
        %add3A_1219 = vector.broadcast %add3A_1218 : i32 to vector<16xi32>
        %add3A_1220 = arith.addi %mul3A_131, %add3A_1219 : vector<16xi32>
        %gather3A_1221 = tpu.vector_load_idx %arg6[%add3A_1220] : memref<2832xf32, #tpu.memory_space<vmem>>[vector<16xi32>], vector<16xf32>,
        %add3A_1222 = arith.constant 3 : i32
        %add3A_1223 = vector.broadcast %add3A_1222 : i32 to vector<16xi32>
        %add3A_1224 = arith.addi %mul3A_137, %add3A_1223 : vector<16xi32>
        %gather3A_1225 = tpu.vector_load_idx %arg6[%add3A_1224] : memref<2832xf32, #tpu.memory_space<vmem>>[vector<16xi32>], vector<16xf32>,
        %mul3A_1226 = arith.mulf %gather3A_1221, %gather3A_614 : vector<16xf32>
        %mul3A_1227 = arith.mulf %gather3A_1225, %gather3A_612 : vector<16xf32>
        %add3A_1228 = arith.addf %mul3A_1226, %mul3A_1227 : vector<16xf32>
        %add3A_1229 = arith.constant 3 : i32
        %add3A_1230 = vector.broadcast %add3A_1229 : i32 to vector<16xi32>
        %add3A_1231 = arith.addi %mul3A_169, %add3A_1230 : vector<16xi32>
        %gather3A_1232 = tpu.vector_load_idx %arg6[%add3A_1231] : memref<2832xf32, #tpu.memory_space<vmem>>[vector<16xi32>], vector<16xf32>,
        %add3A_1233 = arith.constant 3 : i32
        %add3A_1234 = vector.broadcast %add3A_1233 : i32 to vector<16xi32>
        %add3A_1235 = arith.addi %mul3A_175, %add3A_1234 : vector<16xi32>
        %gather3A_1236 = tpu.vector_load_idx %arg6[%add3A_1235] : memref<2832xf32, #tpu.memory_space<vmem>>[vector<16xi32>], vector<16xf32>,
        %mul3A_1237 = arith.mulf %gather3A_1232, %gather3A_615 : vector<16xf32>
        %mul3A_1238 = arith.mulf %gather3A_1236, %gather3A_613 : vector<16xf32>
        %add3A_1239 = arith.addf %mul3A_1237, %mul3A_1238 : vector<16xf32>
        %lt3A_1240 = arith.constant 0 : i32
        %lt3A_1241 = vector.broadcast %lt3A_1240 : i32 to vector<16xi32>
        %lt3A_1242 = arith.cmpi slt, %broadcast_in_dim3A_69, %lt3A_1241 : vector<16xi32>
        %add3A_1243 = arith.constant 16 : i32
        %add3A_1244 = vector.broadcast %add3A_1243 : i32 to vector<16xi32>
        %add3A_1245 = arith.addi %broadcast_in_dim3A_69, %add3A_1244 : vector<16xi32>
        %select_n3A_1246 = arith.select %lt3A_1242, %add3A_1245, %broadcast_in_dim3A_69 : vector<16xi1>, vector<16xi32>
        %reshape3A_1247 = vector.shape_cast %select_n3A_1246 : vector<16xi32> to vector<16x1xi32>
        %gather3A_1248 = vector.shape_cast %reshape3A_1247 : vector<16x1xi32> to vector<16xi32>
        %gather3A_1249 = tpu.dynamic_gather %gather3A_1217[%gather3A_1248] in [0] : vector<16xf32>, vector<16xi32> -> vector<16xf32>
        %mul3A_1250 = arith.mulf %gather3A_1249, %add3A_1228 : vector<16xf32>
        %add3A_1251 = arith.addf %add3A_1053, %mul3A_1250 : vector<16xf32>
        %mul3A_1252 = arith.mulf %gather3A_1249, %add3A_1239 : vector<16xf32>
        %add3A_1253 = arith.addf %add3A_1055, %mul3A_1252 : vector<16xf32>
        %lt3A_1254 = arith.constant 0 : i32
        %lt3A_1255 = vector.broadcast %lt3A_1254 : i32 to vector<16xi32>
        %lt3A_1256 = arith.cmpi slt, %broadcast_in_dim3A_71, %lt3A_1255 : vector<16xi32>
        %add3A_1257 = arith.constant 16 : i32
        %add3A_1258 = vector.broadcast %add3A_1257 : i32 to vector<16xi32>
        %add3A_1259 = arith.addi %broadcast_in_dim3A_71, %add3A_1258 : vector<16xi32>
        %select_n3A_1260 = arith.select %lt3A_1256, %add3A_1259, %broadcast_in_dim3A_71 : vector<16xi1>, vector<16xi32>
        %reshape3A_1261 = vector.shape_cast %select_n3A_1260 : vector<16xi32> to vector<16x1xi32>
        %gather3A_1262 = vector.shape_cast %reshape3A_1261 : vector<16x1xi32> to vector<16xi32>
        %gather3A_1263 = tpu.dynamic_gather %gather3A_1217[%gather3A_1262] in [0] : vector<16xf32>, vector<16xi32> -> vector<16xf32>
        %mul3A_1264 = arith.mulf %gather3A_1263, %add3A_1228 : vector<16xf32>
        %add3A_1265 = arith.addf %add3A_1067, %mul3A_1264 : vector<16xf32>
        %mul3A_1266 = arith.mulf %gather3A_1263, %add3A_1239 : vector<16xf32>
        %add3A_1267 = arith.addf %add3A_1069, %mul3A_1266 : vector<16xf32>
        %lt3A_1268 = arith.constant 0 : i32
        %lt3A_1269 = vector.broadcast %lt3A_1268 : i32 to vector<16xi32>
        %lt3A_1270 = arith.cmpi slt, %broadcast_in_dim3A_73, %lt3A_1269 : vector<16xi32>
        %add3A_1271 = arith.constant 16 : i32
        %add3A_1272 = vector.broadcast %add3A_1271 : i32 to vector<16xi32>
        %add3A_1273 = arith.addi %broadcast_in_dim3A_73, %add3A_1272 : vector<16xi32>
        %select_n3A_1274 = arith.select %lt3A_1270, %add3A_1273, %broadcast_in_dim3A_73 : vector<16xi1>, vector<16xi32>
        %reshape3A_1275 = vector.shape_cast %select_n3A_1274 : vector<16xi32> to vector<16x1xi32>
        %gather3A_1276 = vector.shape_cast %reshape3A_1275 : vector<16x1xi32> to vector<16xi32>
        %gather3A_1277 = tpu.dynamic_gather %gather3A_1217[%gather3A_1276] in [0] : vector<16xf32>, vector<16xi32> -> vector<16xf32>
        %mul3A_1278 = arith.mulf %gather3A_1277, %add3A_1228 : vector<16xf32>
        %add3A_1279 = arith.addf %add3A_1081, %mul3A_1278 : vector<16xf32>
        %mul3A_1280 = arith.mulf %gather3A_1277, %add3A_1239 : vector<16xf32>
        %add3A_1281 = arith.addf %add3A_1083, %mul3A_1280 : vector<16xf32>
        %lt3A_1282 = arith.constant 0 : i32
        %lt3A_1283 = vector.broadcast %lt3A_1282 : i32 to vector<16xi32>
        %lt3A_1284 = arith.cmpi slt, %broadcast_in_dim3A_75, %lt3A_1283 : vector<16xi32>
        %add3A_1285 = arith.constant 16 : i32
        %add3A_1286 = vector.broadcast %add3A_1285 : i32 to vector<16xi32>
        %add3A_1287 = arith.addi %broadcast_in_dim3A_75, %add3A_1286 : vector<16xi32>
        %select_n3A_1288 = arith.select %lt3A_1284, %add3A_1287, %broadcast_in_dim3A_75 : vector<16xi1>, vector<16xi32>
        %reshape3A_1289 = vector.shape_cast %select_n3A_1288 : vector<16xi32> to vector<16x1xi32>
        %gather3A_1290 = vector.shape_cast %reshape3A_1289 : vector<16x1xi32> to vector<16xi32>
        %gather3A_1291 = tpu.dynamic_gather %gather3A_1217[%gather3A_1290] in [0] : vector<16xf32>, vector<16xi32> -> vector<16xf32>
        %mul3A_1292 = arith.mulf %gather3A_1291, %add3A_1228 : vector<16xf32>
        %add3A_1293 = arith.addf %add3A_1095, %mul3A_1292 : vector<16xf32>
        %mul3A_1294 = arith.mulf %gather3A_1291, %add3A_1239 : vector<16xf32>
        %add3A_1295 = arith.addf %add3A_1097, %mul3A_1294 : vector<16xf32>
        %lt3A_1296 = arith.constant 0 : i32
        %lt3A_1297 = vector.broadcast %lt3A_1296 : i32 to vector<16xi32>
        %lt3A_1298 = arith.cmpi slt, %broadcast_in_dim3A_77, %lt3A_1297 : vector<16xi32>
        %add3A_1299 = arith.constant 16 : i32
        %add3A_1300 = vector.broadcast %add3A_1299 : i32 to vector<16xi32>
        %add3A_1301 = arith.addi %broadcast_in_dim3A_77, %add3A_1300 : vector<16xi32>
        %select_n3A_1302 = arith.select %lt3A_1298, %add3A_1301, %broadcast_in_dim3A_77 : vector<16xi1>, vector<16xi32>
        %reshape3A_1303 = vector.shape_cast %select_n3A_1302 : vector<16xi32> to vector<16x1xi32>
        %gather3A_1304 = vector.shape_cast %reshape3A_1303 : vector<16x1xi32> to vector<16xi32>
        %gather3A_1305 = tpu.dynamic_gather %gather3A_1217[%gather3A_1304] in [0] : vector<16xf32>, vector<16xi32> -> vector<16xf32>
        %mul3A_1306 = arith.mulf %gather3A_1305, %add3A_1228 : vector<16xf32>
        %add3A_1307 = arith.addf %add3A_1109, %mul3A_1306 : vector<16xf32>
        %mul3A_1308 = arith.mulf %gather3A_1305, %add3A_1239 : vector<16xf32>
        %add3A_1309 = arith.addf %add3A_1111, %mul3A_1308 : vector<16xf32>
        %lt3A_1310 = arith.constant 0 : i32
        %lt3A_1311 = vector.broadcast %lt3A_1310 : i32 to vector<16xi32>
        %lt3A_1312 = arith.cmpi slt, %broadcast_in_dim3A_79, %lt3A_1311 : vector<16xi32>
        %add3A_1313 = arith.constant 16 : i32
        %add3A_1314 = vector.broadcast %add3A_1313 : i32 to vector<16xi32>
        %add3A_1315 = arith.addi %broadcast_in_dim3A_79, %add3A_1314 : vector<16xi32>
        %select_n3A_1316 = arith.select %lt3A_1312, %add3A_1315, %broadcast_in_dim3A_79 : vector<16xi1>, vector<16xi32>
        %reshape3A_1317 = vector.shape_cast %select_n3A_1316 : vector<16xi32> to vector<16x1xi32>
        %gather3A_1318 = vector.shape_cast %reshape3A_1317 : vector<16x1xi32> to vector<16xi32>
        %gather3A_1319 = tpu.dynamic_gather %gather3A_1217[%gather3A_1318] in [0] : vector<16xf32>, vector<16xi32> -> vector<16xf32>
        %mul3A_1320 = arith.mulf %gather3A_1319, %add3A_1228 : vector<16xf32>
        %add3A_1321 = arith.addf %add3A_1123, %mul3A_1320 : vector<16xf32>
        %mul3A_1322 = arith.mulf %gather3A_1319, %add3A_1239 : vector<16xf32>
        %add3A_1323 = arith.addf %add3A_1125, %mul3A_1322 : vector<16xf32>
        %lt3A_1324 = arith.constant 0 : i32
        %lt3A_1325 = vector.broadcast %lt3A_1324 : i32 to vector<16xi32>
        %lt3A_1326 = arith.cmpi slt, %broadcast_in_dim3A_81, %lt3A_1325 : vector<16xi32>
        %add3A_1327 = arith.constant 16 : i32
        %add3A_1328 = vector.broadcast %add3A_1327 : i32 to vector<16xi32>
        %add3A_1329 = arith.addi %broadcast_in_dim3A_81, %add3A_1328 : vector<16xi32>
        %select_n3A_1330 = arith.select %lt3A_1326, %add3A_1329, %broadcast_in_dim3A_81 : vector<16xi1>, vector<16xi32>
        %reshape3A_1331 = vector.shape_cast %select_n3A_1330 : vector<16xi32> to vector<16x1xi32>
        %gather3A_1332 = vector.shape_cast %reshape3A_1331 : vector<16x1xi32> to vector<16xi32>
        %gather3A_1333 = tpu.dynamic_gather %gather3A_1217[%gather3A_1332] in [0] : vector<16xf32>, vector<16xi32> -> vector<16xf32>
        %mul3A_1334 = arith.mulf %gather3A_1333, %add3A_1228 : vector<16xf32>
        %add3A_1335 = arith.addf %add3A_1137, %mul3A_1334 : vector<16xf32>
        %mul3A_1336 = arith.mulf %gather3A_1333, %add3A_1239 : vector<16xf32>
        %add3A_1337 = arith.addf %add3A_1139, %mul3A_1336 : vector<16xf32>
        %lt3A_1338 = arith.constant 0 : i32
        %lt3A_1339 = vector.broadcast %lt3A_1338 : i32 to vector<16xi32>
        %lt3A_1340 = arith.cmpi slt, %broadcast_in_dim3A_83, %lt3A_1339 : vector<16xi32>
        %add3A_1341 = arith.constant 16 : i32
        %add3A_1342 = vector.broadcast %add3A_1341 : i32 to vector<16xi32>
        %add3A_1343 = arith.addi %broadcast_in_dim3A_83, %add3A_1342 : vector<16xi32>
        %select_n3A_1344 = arith.select %lt3A_1340, %add3A_1343, %broadcast_in_dim3A_83 : vector<16xi1>, vector<16xi32>
        %reshape3A_1345 = vector.shape_cast %select_n3A_1344 : vector<16xi32> to vector<16x1xi32>
        %gather3A_1346 = vector.shape_cast %reshape3A_1345 : vector<16x1xi32> to vector<16xi32>
        %gather3A_1347 = tpu.dynamic_gather %gather3A_1217[%gather3A_1346] in [0] : vector<16xf32>, vector<16xi32> -> vector<16xf32>
        %mul3A_1348 = arith.mulf %gather3A_1347, %add3A_1228 : vector<16xf32>
        %add3A_1349 = arith.addf %add3A_1151, %mul3A_1348 : vector<16xf32>
        %mul3A_1350 = arith.mulf %gather3A_1347, %add3A_1239 : vector<16xf32>
        %add3A_1351 = arith.addf %add3A_1153, %mul3A_1350 : vector<16xf32>
        %lt3A_1352 = arith.constant 0 : i32
        %lt3A_1353 = vector.broadcast %lt3A_1352 : i32 to vector<16xi32>
        %lt3A_1354 = arith.cmpi slt, %broadcast_in_dim3A_85, %lt3A_1353 : vector<16xi32>
        %add3A_1355 = arith.constant 16 : i32
        %add3A_1356 = vector.broadcast %add3A_1355 : i32 to vector<16xi32>
        %add3A_1357 = arith.addi %broadcast_in_dim3A_85, %add3A_1356 : vector<16xi32>
        %select_n3A_1358 = arith.select %lt3A_1354, %add3A_1357, %broadcast_in_dim3A_85 : vector<16xi1>, vector<16xi32>
        %reshape3A_1359 = vector.shape_cast %select_n3A_1358 : vector<16xi32> to vector<16x1xi32>
        %gather3A_1360 = vector.shape_cast %reshape3A_1359 : vector<16x1xi32> to vector<16xi32>
        %gather3A_1361 = tpu.dynamic_gather %gather3A_1217[%gather3A_1360] in [0] : vector<16xf32>, vector<16xi32> -> vector<16xf32>
        %mul3A_1362 = arith.mulf %gather3A_1361, %add3A_1228 : vector<16xf32>
        %add3A_1363 = arith.addf %add3A_1165, %mul3A_1362 : vector<16xf32>
        %mul3A_1364 = arith.mulf %gather3A_1361, %add3A_1239 : vector<16xf32>
        %add3A_1365 = arith.addf %add3A_1167, %mul3A_1364 : vector<16xf32>
        %lt3A_1366 = arith.constant 0 : i32
        %lt3A_1367 = vector.broadcast %lt3A_1366 : i32 to vector<16xi32>
        %lt3A_1368 = arith.cmpi slt, %broadcast_in_dim3A_87, %lt3A_1367 : vector<16xi32>
        %add3A_1369 = arith.constant 16 : i32
        %add3A_1370 = vector.broadcast %add3A_1369 : i32 to vector<16xi32>
        %add3A_1371 = arith.addi %broadcast_in_dim3A_87, %add3A_1370 : vector<16xi32>
        %select_n3A_1372 = arith.select %lt3A_1368, %add3A_1371, %broadcast_in_dim3A_87 : vector<16xi1>, vector<16xi32>
        %reshape3A_1373 = vector.shape_cast %select_n3A_1372 : vector<16xi32> to vector<16x1xi32>
        %gather3A_1374 = vector.shape_cast %reshape3A_1373 : vector<16x1xi32> to vector<16xi32>
        %gather3A_1375 = tpu.dynamic_gather %gather3A_1217[%gather3A_1374] in [0] : vector<16xf32>, vector<16xi32> -> vector<16xf32>
        %mul3A_1376 = arith.mulf %gather3A_1375, %add3A_1228 : vector<16xf32>
        %add3A_1377 = arith.addf %add3A_1179, %mul3A_1376 : vector<16xf32>
        %mul3A_1378 = arith.mulf %gather3A_1375, %add3A_1239 : vector<16xf32>
        %add3A_1379 = arith.addf %add3A_1181, %mul3A_1378 : vector<16xf32>
        %lt3A_1380 = arith.constant 0 : i32
        %lt3A_1381 = vector.broadcast %lt3A_1380 : i32 to vector<16xi32>
        %lt3A_1382 = arith.cmpi slt, %broadcast_in_dim3A_89, %lt3A_1381 : vector<16xi32>
        %add3A_1383 = arith.constant 16 : i32
        %add3A_1384 = vector.broadcast %add3A_1383 : i32 to vector<16xi32>
        %add3A_1385 = arith.addi %broadcast_in_dim3A_89, %add3A_1384 : vector<16xi32>
        %select_n3A_1386 = arith.select %lt3A_1382, %add3A_1385, %broadcast_in_dim3A_89 : vector<16xi1>, vector<16xi32>
        %reshape3A_1387 = vector.shape_cast %select_n3A_1386 : vector<16xi32> to vector<16x1xi32>
        %gather3A_1388 = vector.shape_cast %reshape3A_1387 : vector<16x1xi32> to vector<16xi32>
        %gather3A_1389 = tpu.dynamic_gather %gather3A_1217[%gather3A_1388] in [0] : vector<16xf32>, vector<16xi32> -> vector<16xf32>
        %mul3A_1390 = arith.mulf %gather3A_1389, %add3A_1228 : vector<16xf32>
        %add3A_1391 = arith.addf %add3A_1193, %mul3A_1390 : vector<16xf32>
        %mul3A_1392 = arith.mulf %gather3A_1389, %add3A_1239 : vector<16xf32>
        %add3A_1393 = arith.addf %add3A_1195, %mul3A_1392 : vector<16xf32>
        %lt3A_1394 = arith.constant 0 : i32
        %lt3A_1395 = vector.broadcast %lt3A_1394 : i32 to vector<16xi32>
        %lt3A_1396 = arith.cmpi slt, %broadcast_in_dim3A_91, %lt3A_1395 : vector<16xi32>
        %add3A_1397 = arith.constant 16 : i32
        %add3A_1398 = vector.broadcast %add3A_1397 : i32 to vector<16xi32>
        %add3A_1399 = arith.addi %broadcast_in_dim3A_91, %add3A_1398 : vector<16xi32>
        %select_n3A_1400 = arith.select %lt3A_1396, %add3A_1399, %broadcast_in_dim3A_91 : vector<16xi1>, vector<16xi32>
        %reshape3A_1401 = vector.shape_cast %select_n3A_1400 : vector<16xi32> to vector<16x1xi32>
        %gather3A_1402 = vector.shape_cast %reshape3A_1401 : vector<16x1xi32> to vector<16xi32>
        %gather3A_1403 = tpu.dynamic_gather %gather3A_1217[%gather3A_1402] in [0] : vector<16xf32>, vector<16xi32> -> vector<16xf32>
        %mul3A_1404 = arith.mulf %gather3A_1403, %add3A_1228 : vector<16xf32>
        %add3A_1405 = arith.addf %add3A_1207, %mul3A_1404 : vector<16xf32>
        %mul3A_1406 = arith.mulf %gather3A_1403, %add3A_1239 : vector<16xf32>
        %add3A_1407 = arith.addf %add3A_1209, %mul3A_1406 : vector<16xf32>
        scf.yield %add3A_1251, %add3A_1265, %add3A_1279, %add3A_1293, %add3A_1307, %add3A_1321, %add3A_1335, %add3A_1349, %add3A_1363, %add3A_1377, %add3A_1391, %add3A_1405, %add3A_1253, %add3A_1267, %add3A_1281, %add3A_1295, %add3A_1309, %add3A_1323, %add3A_1337, %add3A_1351, %add3A_1365, %add3A_1379, %add3A_1393, %add3A_1407 : vector<16xf32>, vector<16xf32>, vector<16xf32>, vector<16xf32>, vector<16xf32>, vector<16xf32>, vector<16xf32>, vector<16xf32>, vector<16xf32>, vector<16xf32>, vector<16xf32>, vector<16xf32>, vector<16xf32>, vector<16xf32>, vector<16xf32>, vector<16xf32>, vector<16xf32>, vector<16xf32>, vector<16xf32>, vector<16xf32>, vector<16xf32>, vector<16xf32>, vector<16xf32>, vector<16xf32>
      }
      %scan3A_233 = arith.constant 12 : i32
      %mul3A_234 = arith.constant 2 : i32
      %mul3A_235 = arith.muli %mul3A_234, %scan3A_104 : i32
      %add3A_236 = arith.constant 0 : i32
      %add3A_237 = arith.addi %mul3A_235, %add3A_236 : i32
      %mul3A_238 = arith.constant 16 : i32
      %mul3A_239 = arith.muli %add3A_237, %mul3A_238 : i32
      %add3A_240 = vector.broadcast %mul3A_239 : i32 to vector<16xi32>
      %add3A_241 = arith.addi %add3A_240, %iota3A : vector<16xi32>
      %lt3A_242 = arith.constant 0 : i32
      %lt3A_243 = vector.broadcast %lt3A_242 : i32 to vector<16xi32>
      %lt3A_244 = arith.cmpi slt, %broadcast_in_dim3A_69, %lt3A_243 : vector<16xi32>
      %add3A_245 = arith.constant 16 : i32
      %add3A_246 = vector.broadcast %add3A_245 : i32 to vector<16xi32>
      %add3A_247 = arith.addi %broadcast_in_dim3A_69, %add3A_246 : vector<16xi32>
      %select_n3A_248 = arith.select %lt3A_244, %add3A_247, %broadcast_in_dim3A_69 : vector<16xi1>, vector<16xi32>
      %reshape3A = vector.shape_cast %select_n3A_248 : vector<16xi32> to vector<16x1xi32>
      %gather3A = vector.shape_cast %reshape3A : vector<16x1xi32> to vector<16xi32>
      %gather3A_249 = tpu.dynamic_gather %get3A_92[%gather3A] in [0] : vector<16xf32>, vector<16xi32> -> vector<16xf32>
      %add3A_250 = arith.addf %scan3A_232#0, %gather3A_249 : vector<16xf32>
      %max3A = arith.constant 0.000000e+00 : f32
      %max3A_251 = vector.broadcast %max3A : f32 to vector<16xf32>
      %max3A_252 = arith.maximumf %add3A_250, %max3A_251 : vector<16xf32>
      tpu.vector_store_idx %arg7[%broadcast_in_dim3A_69, %add3A_241], %max3A_252 : memref<12x64xf32, #tpu.memory_space<vmem>>[vector<16xi32>, vector<16xi32>], vector<16xf32>,
      %lt3A_253 = arith.constant 0 : i32
      %lt3A_254 = vector.broadcast %lt3A_253 : i32 to vector<16xi32>
      %lt3A_255 = arith.cmpi slt, %broadcast_in_dim3A_71, %lt3A_254 : vector<16xi32>
      %add3A_256 = arith.constant 16 : i32
      %add3A_257 = vector.broadcast %add3A_256 : i32 to vector<16xi32>
      %add3A_258 = arith.addi %broadcast_in_dim3A_71, %add3A_257 : vector<16xi32>
      %select_n3A_259 = arith.select %lt3A_255, %add3A_258, %broadcast_in_dim3A_71 : vector<16xi1>, vector<16xi32>
      %reshape3A_260 = vector.shape_cast %select_n3A_259 : vector<16xi32> to vector<16x1xi32>
      %gather3A_261 = vector.shape_cast %reshape3A_260 : vector<16x1xi32> to vector<16xi32>
      %gather3A_262 = tpu.dynamic_gather %get3A_92[%gather3A_261] in [0] : vector<16xf32>, vector<16xi32> -> vector<16xf32>
      %add3A_263 = arith.addf %scan3A_232#1, %gather3A_262 : vector<16xf32>
      %max3A_264 = arith.constant 0.000000e+00 : f32
      %max3A_265 = vector.broadcast %max3A_264 : f32 to vector<16xf32>
      %max3A_266 = arith.maximumf %add3A_263, %max3A_265 : vector<16xf32>
      tpu.vector_store_idx %arg7[%broadcast_in_dim3A_71, %add3A_241], %max3A_266 : memref<12x64xf32, #tpu.memory_space<vmem>>[vector<16xi32>, vector<16xi32>], vector<16xf32>,
      %lt3A_267 = arith.constant 0 : i32
      %lt3A_268 = vector.broadcast %lt3A_267 : i32 to vector<16xi32>
      %lt3A_269 = arith.cmpi slt, %broadcast_in_dim3A_73, %lt3A_268 : vector<16xi32>
      %add3A_270 = arith.constant 16 : i32
      %add3A_271 = vector.broadcast %add3A_270 : i32 to vector<16xi32>
      %add3A_272 = arith.addi %broadcast_in_dim3A_73, %add3A_271 : vector<16xi32>
      %select_n3A_273 = arith.select %lt3A_269, %add3A_272, %broadcast_in_dim3A_73 : vector<16xi1>, vector<16xi32>
      %reshape3A_274 = vector.shape_cast %select_n3A_273 : vector<16xi32> to vector<16x1xi32>
      %gather3A_275 = vector.shape_cast %reshape3A_274 : vector<16x1xi32> to vector<16xi32>
      %gather3A_276 = tpu.dynamic_gather %get3A_92[%gather3A_275] in [0] : vector<16xf32>, vector<16xi32> -> vector<16xf32>
      %add3A_277 = arith.addf %scan3A_232#2, %gather3A_276 : vector<16xf32>
      %max3A_278 = arith.constant 0.000000e+00 : f32
      %max3A_279 = vector.broadcast %max3A_278 : f32 to vector<16xf32>
      %max3A_280 = arith.maximumf %add3A_277, %max3A_279 : vector<16xf32>
      tpu.vector_store_idx %arg7[%broadcast_in_dim3A_73, %add3A_241], %max3A_280 : memref<12x64xf32, #tpu.memory_space<vmem>>[vector<16xi32>, vector<16xi32>], vector<16xf32>,
      %lt3A_281 = arith.constant 0 : i32
      %lt3A_282 = vector.broadcast %lt3A_281 : i32 to vector<16xi32>
      %lt3A_283 = arith.cmpi slt, %broadcast_in_dim3A_75, %lt3A_282 : vector<16xi32>
      %add3A_284 = arith.constant 16 : i32
      %add3A_285 = vector.broadcast %add3A_284 : i32 to vector<16xi32>
      %add3A_286 = arith.addi %broadcast_in_dim3A_75, %add3A_285 : vector<16xi32>
      %select_n3A_287 = arith.select %lt3A_283, %add3A_286, %broadcast_in_dim3A_75 : vector<16xi1>, vector<16xi32>
      %reshape3A_288 = vector.shape_cast %select_n3A_287 : vector<16xi32> to vector<16x1xi32>
      %gather3A_289 = vector.shape_cast %reshape3A_288 : vector<16x1xi32> to vector<16xi32>
      %gather3A_290 = tpu.dynamic_gather %get3A_92[%gather3A_289] in [0] : vector<16xf32>, vector<16xi32> -> vector<16xf32>
      %add3A_291 = arith.addf %scan3A_232#3, %gather3A_290 : vector<16xf32>
      %max3A_292 = arith.constant 0.000000e+00 : f32
      %max3A_293 = vector.broadcast %max3A_292 : f32 to vector<16xf32>
      %max3A_294 = arith.maximumf %add3A_291, %max3A_293 : vector<16xf32>
      tpu.vector_store_idx %arg7[%broadcast_in_dim3A_75, %add3A_241], %max3A_294 : memref<12x64xf32, #tpu.memory_space<vmem>>[vector<16xi32>, vector<16xi32>], vector<16xf32>,
      %lt3A_295 = arith.constant 0 : i32
      %lt3A_296 = vector.broadcast %lt3A_295 : i32 to vector<16xi32>
      %lt3A_297 = arith.cmpi slt, %broadcast_in_dim3A_77, %lt3A_296 : vector<16xi32>
      %add3A_298 = arith.constant 16 : i32
      %add3A_299 = vector.broadcast %add3A_298 : i32 to vector<16xi32>
      %add3A_300 = arith.addi %broadcast_in_dim3A_77, %add3A_299 : vector<16xi32>
      %select_n3A_301 = arith.select %lt3A_297, %add3A_300, %broadcast_in_dim3A_77 : vector<16xi1>, vector<16xi32>
      %reshape3A_302 = vector.shape_cast %select_n3A_301 : vector<16xi32> to vector<16x1xi32>
      %gather3A_303 = vector.shape_cast %reshape3A_302 : vector<16x1xi32> to vector<16xi32>
      %gather3A_304 = tpu.dynamic_gather %get3A_92[%gather3A_303] in [0] : vector<16xf32>, vector<16xi32> -> vector<16xf32>
      %add3A_305 = arith.addf %scan3A_232#4, %gather3A_304 : vector<16xf32>
      %max3A_306 = arith.constant 0.000000e+00 : f32
      %max3A_307 = vector.broadcast %max3A_306 : f32 to vector<16xf32>
      %max3A_308 = arith.maximumf %add3A_305, %max3A_307 : vector<16xf32>
      tpu.vector_store_idx %arg7[%broadcast_in_dim3A_77, %add3A_241], %max3A_308 : memref<12x64xf32, #tpu.memory_space<vmem>>[vector<16xi32>, vector<16xi32>], vector<16xf32>,
      %lt3A_309 = arith.constant 0 : i32
      %lt3A_310 = vector.broadcast %lt3A_309 : i32 to vector<16xi32>
      %lt3A_311 = arith.cmpi slt, %broadcast_in_dim3A_79, %lt3A_310 : vector<16xi32>
      %add3A_312 = arith.constant 16 : i32
      %add3A_313 = vector.broadcast %add3A_312 : i32 to vector<16xi32>
      %add3A_314 = arith.addi %broadcast_in_dim3A_79, %add3A_313 : vector<16xi32>
      %select_n3A_315 = arith.select %lt3A_311, %add3A_314, %broadcast_in_dim3A_79 : vector<16xi1>, vector<16xi32>
      %reshape3A_316 = vector.shape_cast %select_n3A_315 : vector<16xi32> to vector<16x1xi32>
      %gather3A_317 = vector.shape_cast %reshape3A_316 : vector<16x1xi32> to vector<16xi32>
      %gather3A_318 = tpu.dynamic_gather %get3A_92[%gather3A_317] in [0] : vector<16xf32>, vector<16xi32> -> vector<16xf32>
      %add3A_319 = arith.addf %scan3A_232#5, %gather3A_318 : vector<16xf32>
      %max3A_320 = arith.constant 0.000000e+00 : f32
      %max3A_321 = vector.broadcast %max3A_320 : f32 to vector<16xf32>
      %max3A_322 = arith.maximumf %add3A_319, %max3A_321 : vector<16xf32>
      tpu.vector_store_idx %arg7[%broadcast_in_dim3A_79, %add3A_241], %max3A_322 : memref<12x64xf32, #tpu.memory_space<vmem>>[vector<16xi32>, vector<16xi32>], vector<16xf32>,
      %lt3A_323 = arith.constant 0 : i32
      %lt3A_324 = vector.broadcast %lt3A_323 : i32 to vector<16xi32>
      %lt3A_325 = arith.cmpi slt, %broadcast_in_dim3A_81, %lt3A_324 : vector<16xi32>
      %add3A_326 = arith.constant 16 : i32
      %add3A_327 = vector.broadcast %add3A_326 : i32 to vector<16xi32>
      %add3A_328 = arith.addi %broadcast_in_dim3A_81, %add3A_327 : vector<16xi32>
      %select_n3A_329 = arith.select %lt3A_325, %add3A_328, %broadcast_in_dim3A_81 : vector<16xi1>, vector<16xi32>
      %reshape3A_330 = vector.shape_cast %select_n3A_329 : vector<16xi32> to vector<16x1xi32>
      %gather3A_331 = vector.shape_cast %reshape3A_330 : vector<16x1xi32> to vector<16xi32>
      %gather3A_332 = tpu.dynamic_gather %get3A_92[%gather3A_331] in [0] : vector<16xf32>, vector<16xi32> -> vector<16xf32>
      %add3A_333 = arith.addf %scan3A_232#6, %gather3A_332 : vector<16xf32>
      %max3A_334 = arith.constant 0.000000e+00 : f32
      %max3A_335 = vector.broadcast %max3A_334 : f32 to vector<16xf32>
      %max3A_336 = arith.maximumf %add3A_333, %max3A_335 : vector<16xf32>
      tpu.vector_store_idx %arg7[%broadcast_in_dim3A_81, %add3A_241], %max3A_336 : memref<12x64xf32, #tpu.memory_space<vmem>>[vector<16xi32>, vector<16xi32>], vector<16xf32>,
      %lt3A_337 = arith.constant 0 : i32
      %lt3A_338 = vector.broadcast %lt3A_337 : i32 to vector<16xi32>
      %lt3A_339 = arith.cmpi slt, %broadcast_in_dim3A_83, %lt3A_338 : vector<16xi32>
      %add3A_340 = arith.constant 16 : i32
      %add3A_341 = vector.broadcast %add3A_340 : i32 to vector<16xi32>
      %add3A_342 = arith.addi %broadcast_in_dim3A_83, %add3A_341 : vector<16xi32>
      %select_n3A_343 = arith.select %lt3A_339, %add3A_342, %broadcast_in_dim3A_83 : vector<16xi1>, vector<16xi32>
      %reshape3A_344 = vector.shape_cast %select_n3A_343 : vector<16xi32> to vector<16x1xi32>
      %gather3A_345 = vector.shape_cast %reshape3A_344 : vector<16x1xi32> to vector<16xi32>
      %gather3A_346 = tpu.dynamic_gather %get3A_92[%gather3A_345] in [0] : vector<16xf32>, vector<16xi32> -> vector<16xf32>
      %add3A_347 = arith.addf %scan3A_232#7, %gather3A_346 : vector<16xf32>
      %max3A_348 = arith.constant 0.000000e+00 : f32
      %max3A_349 = vector.broadcast %max3A_348 : f32 to vector<16xf32>
      %max3A_350 = arith.maximumf %add3A_347, %max3A_349 : vector<16xf32>
      tpu.vector_store_idx %arg7[%broadcast_in_dim3A_83, %add3A_241], %max3A_350 : memref<12x64xf32, #tpu.memory_space<vmem>>[vector<16xi32>, vector<16xi32>], vector<16xf32>,
      %lt3A_351 = arith.constant 0 : i32
      %lt3A_352 = vector.broadcast %lt3A_351 : i32 to vector<16xi32>
      %lt3A_353 = arith.cmpi slt, %broadcast_in_dim3A_85, %lt3A_352 : vector<16xi32>
      %add3A_354 = arith.constant 16 : i32
      %add3A_355 = vector.broadcast %add3A_354 : i32 to vector<16xi32>
      %add3A_356 = arith.addi %broadcast_in_dim3A_85, %add3A_355 : vector<16xi32>
      %select_n3A_357 = arith.select %lt3A_353, %add3A_356, %broadcast_in_dim3A_85 : vector<16xi1>, vector<16xi32>
      %reshape3A_358 = vector.shape_cast %select_n3A_357 : vector<16xi32> to vector<16x1xi32>
      %gather3A_359 = vector.shape_cast %reshape3A_358 : vector<16x1xi32> to vector<16xi32>
      %gather3A_360 = tpu.dynamic_gather %get3A_92[%gather3A_359] in [0] : vector<16xf32>, vector<16xi32> -> vector<16xf32>
      %add3A_361 = arith.addf %scan3A_232#8, %gather3A_360 : vector<16xf32>
      %max3A_362 = arith.constant 0.000000e+00 : f32
      %max3A_363 = vector.broadcast %max3A_362 : f32 to vector<16xf32>
      %max3A_364 = arith.maximumf %add3A_361, %max3A_363 : vector<16xf32>
      tpu.vector_store_idx %arg7[%broadcast_in_dim3A_85, %add3A_241], %max3A_364 : memref<12x64xf32, #tpu.memory_space<vmem>>[vector<16xi32>, vector<16xi32>], vector<16xf32>,
      %lt3A_365 = arith.constant 0 : i32
      %lt3A_366 = vector.broadcast %lt3A_365 : i32 to vector<16xi32>
      %lt3A_367 = arith.cmpi slt, %broadcast_in_dim3A_87, %lt3A_366 : vector<16xi32>
      %add3A_368 = arith.constant 16 : i32
      %add3A_369 = vector.broadcast %add3A_368 : i32 to vector<16xi32>
      %add3A_370 = arith.addi %broadcast_in_dim3A_87, %add3A_369 : vector<16xi32>
      %select_n3A_371 = arith.select %lt3A_367, %add3A_370, %broadcast_in_dim3A_87 : vector<16xi1>, vector<16xi32>
      %reshape3A_372 = vector.shape_cast %select_n3A_371 : vector<16xi32> to vector<16x1xi32>
      %gather3A_373 = vector.shape_cast %reshape3A_372 : vector<16x1xi32> to vector<16xi32>
      %gather3A_374 = tpu.dynamic_gather %get3A_92[%gather3A_373] in [0] : vector<16xf32>, vector<16xi32> -> vector<16xf32>
      %add3A_375 = arith.addf %scan3A_232#9, %gather3A_374 : vector<16xf32>
      %max3A_376 = arith.constant 0.000000e+00 : f32
      %max3A_377 = vector.broadcast %max3A_376 : f32 to vector<16xf32>
      %max3A_378 = arith.maximumf %add3A_375, %max3A_377 : vector<16xf32>
      tpu.vector_store_idx %arg7[%broadcast_in_dim3A_87, %add3A_241], %max3A_378 : memref<12x64xf32, #tpu.memory_space<vmem>>[vector<16xi32>, vector<16xi32>], vector<16xf32>,
      %lt3A_379 = arith.constant 0 : i32
      %lt3A_380 = vector.broadcast %lt3A_379 : i32 to vector<16xi32>
      %lt3A_381 = arith.cmpi slt, %broadcast_in_dim3A_89, %lt3A_380 : vector<16xi32>
      %add3A_382 = arith.constant 16 : i32
      %add3A_383 = vector.broadcast %add3A_382 : i32 to vector<16xi32>
      %add3A_384 = arith.addi %broadcast_in_dim3A_89, %add3A_383 : vector<16xi32>
      %select_n3A_385 = arith.select %lt3A_381, %add3A_384, %broadcast_in_dim3A_89 : vector<16xi1>, vector<16xi32>
      %reshape3A_386 = vector.shape_cast %select_n3A_385 : vector<16xi32> to vector<16x1xi32>
      %gather3A_387 = vector.shape_cast %reshape3A_386 : vector<16x1xi32> to vector<16xi32>
      %gather3A_388 = tpu.dynamic_gather %get3A_92[%gather3A_387] in [0] : vector<16xf32>, vector<16xi32> -> vector<16xf32>
      %add3A_389 = arith.addf %scan3A_232#10, %gather3A_388 : vector<16xf32>
      %max3A_390 = arith.constant 0.000000e+00 : f32
      %max3A_391 = vector.broadcast %max3A_390 : f32 to vector<16xf32>
      %max3A_392 = arith.maximumf %add3A_389, %max3A_391 : vector<16xf32>
      tpu.vector_store_idx %arg7[%broadcast_in_dim3A_89, %add3A_241], %max3A_392 : memref<12x64xf32, #tpu.memory_space<vmem>>[vector<16xi32>, vector<16xi32>], vector<16xf32>,
      %lt3A_393 = arith.constant 0 : i32
      %lt3A_394 = vector.broadcast %lt3A_393 : i32 to vector<16xi32>
      %lt3A_395 = arith.cmpi slt, %broadcast_in_dim3A_91, %lt3A_394 : vector<16xi32>
      %add3A_396 = arith.constant 16 : i32
      %add3A_397 = vector.broadcast %add3A_396 : i32 to vector<16xi32>
      %add3A_398 = arith.addi %broadcast_in_dim3A_91, %add3A_397 : vector<16xi32>
      %select_n3A_399 = arith.select %lt3A_395, %add3A_398, %broadcast_in_dim3A_91 : vector<16xi1>, vector<16xi32>
      %reshape3A_400 = vector.shape_cast %select_n3A_399 : vector<16xi32> to vector<16x1xi32>
      %gather3A_401 = vector.shape_cast %reshape3A_400 : vector<16x1xi32> to vector<16xi32>
      %gather3A_402 = tpu.dynamic_gather %get3A_92[%gather3A_401] in [0] : vector<16xf32>, vector<16xi32> -> vector<16xf32>
      %add3A_403 = arith.addf %scan3A_232#11, %gather3A_402 : vector<16xf32>
      %max3A_404 = arith.constant 0.000000e+00 : f32
      %max3A_405 = vector.broadcast %max3A_404 : f32 to vector<16xf32>
      %max3A_406 = arith.maximumf %add3A_403, %max3A_405 : vector<16xf32>
      tpu.vector_store_idx %arg7[%broadcast_in_dim3A_91, %add3A_241], %max3A_406 : memref<12x64xf32, #tpu.memory_space<vmem>>[vector<16xi32>, vector<16xi32>], vector<16xf32>,
      %mul3A_407 = arith.constant 2 : i32
      %mul3A_408 = arith.muli %mul3A_407, %scan3A_104 : i32
      %add3A_409 = arith.constant 1 : i32
      %add3A_410 = arith.addi %mul3A_408, %add3A_409 : i32
      %mul3A_411 = arith.constant 16 : i32
      %mul3A_412 = arith.muli %add3A_410, %mul3A_411 : i32
      %add3A_413 = vector.broadcast %mul3A_412 : i32 to vector<16xi32>
      %add3A_414 = arith.addi %add3A_413, %iota3A : vector<16xi32>
      %lt3A_415 = arith.constant 0 : i32
      %lt3A_416 = vector.broadcast %lt3A_415 : i32 to vector<16xi32>
      %lt3A_417 = arith.cmpi slt, %broadcast_in_dim3A_69, %lt3A_416 : vector<16xi32>
      %add3A_418 = arith.constant 16 : i32
      %add3A_419 = vector.broadcast %add3A_418 : i32 to vector<16xi32>
      %add3A_420 = arith.addi %broadcast_in_dim3A_69, %add3A_419 : vector<16xi32>
      %select_n3A_421 = arith.select %lt3A_417, %add3A_420, %broadcast_in_dim3A_69 : vector<16xi1>, vector<16xi32>
      %reshape3A_422 = vector.shape_cast %select_n3A_421 : vector<16xi32> to vector<16x1xi32>
      %gather3A_423 = vector.shape_cast %reshape3A_422 : vector<16x1xi32> to vector<16xi32>
      %gather3A_424 = tpu.dynamic_gather %get3A_92[%gather3A_423] in [0] : vector<16xf32>, vector<16xi32> -> vector<16xf32>
      %add3A_425 = arith.addf %scan3A_232#12, %gather3A_424 : vector<16xf32>
      %max3A_426 = arith.constant 0.000000e+00 : f32
      %max3A_427 = vector.broadcast %max3A_426 : f32 to vector<16xf32>
      %max3A_428 = arith.maximumf %add3A_425, %max3A_427 : vector<16xf32>
      tpu.vector_store_idx %arg7[%broadcast_in_dim3A_69, %add3A_414], %max3A_428 : memref<12x64xf32, #tpu.memory_space<vmem>>[vector<16xi32>, vector<16xi32>], vector<16xf32>,
      %lt3A_429 = arith.constant 0 : i32
      %lt3A_430 = vector.broadcast %lt3A_429 : i32 to vector<16xi32>
      %lt3A_431 = arith.cmpi slt, %broadcast_in_dim3A_71, %lt3A_430 : vector<16xi32>
      %add3A_432 = arith.constant 16 : i32
      %add3A_433 = vector.broadcast %add3A_432 : i32 to vector<16xi32>
      %add3A_434 = arith.addi %broadcast_in_dim3A_71, %add3A_433 : vector<16xi32>
      %select_n3A_435 = arith.select %lt3A_431, %add3A_434, %broadcast_in_dim3A_71 : vector<16xi1>, vector<16xi32>
      %reshape3A_436 = vector.shape_cast %select_n3A_435 : vector<16xi32> to vector<16x1xi32>
      %gather3A_437 = vector.shape_cast %reshape3A_436 : vector<16x1xi32> to vector<16xi32>
      %gather3A_438 = tpu.dynamic_gather %get3A_92[%gather3A_437] in [0] : vector<16xf32>, vector<16xi32> -> vector<16xf32>
      %add3A_439 = arith.addf %scan3A_232#13, %gather3A_438 : vector<16xf32>
      %max3A_440 = arith.constant 0.000000e+00 : f32
      %max3A_441 = vector.broadcast %max3A_440 : f32 to vector<16xf32>
      %max3A_442 = arith.maximumf %add3A_439, %max3A_441 : vector<16xf32>
      tpu.vector_store_idx %arg7[%broadcast_in_dim3A_71, %add3A_414], %max3A_442 : memref<12x64xf32, #tpu.memory_space<vmem>>[vector<16xi32>, vector<16xi32>], vector<16xf32>,
      %lt3A_443 = arith.constant 0 : i32
      %lt3A_444 = vector.broadcast %lt3A_443 : i32 to vector<16xi32>
      %lt3A_445 = arith.cmpi slt, %broadcast_in_dim3A_73, %lt3A_444 : vector<16xi32>
      %add3A_446 = arith.constant 16 : i32
      %add3A_447 = vector.broadcast %add3A_446 : i32 to vector<16xi32>
      %add3A_448 = arith.addi %broadcast_in_dim3A_73, %add3A_447 : vector<16xi32>
      %select_n3A_449 = arith.select %lt3A_445, %add3A_448, %broadcast_in_dim3A_73 : vector<16xi1>, vector<16xi32>
      %reshape3A_450 = vector.shape_cast %select_n3A_449 : vector<16xi32> to vector<16x1xi32>
      %gather3A_451 = vector.shape_cast %reshape3A_450 : vector<16x1xi32> to vector<16xi32>
      %gather3A_452 = tpu.dynamic_gather %get3A_92[%gather3A_451] in [0] : vector<16xf32>, vector<16xi32> -> vector<16xf32>
      %add3A_453 = arith.addf %scan3A_232#14, %gather3A_452 : vector<16xf32>
      %max3A_454 = arith.constant 0.000000e+00 : f32
      %max3A_455 = vector.broadcast %max3A_454 : f32 to vector<16xf32>
      %max3A_456 = arith.maximumf %add3A_453, %max3A_455 : vector<16xf32>
      tpu.vector_store_idx %arg7[%broadcast_in_dim3A_73, %add3A_414], %max3A_456 : memref<12x64xf32, #tpu.memory_space<vmem>>[vector<16xi32>, vector<16xi32>], vector<16xf32>,
      %lt3A_457 = arith.constant 0 : i32
      %lt3A_458 = vector.broadcast %lt3A_457 : i32 to vector<16xi32>
      %lt3A_459 = arith.cmpi slt, %broadcast_in_dim3A_75, %lt3A_458 : vector<16xi32>
      %add3A_460 = arith.constant 16 : i32
      %add3A_461 = vector.broadcast %add3A_460 : i32 to vector<16xi32>
      %add3A_462 = arith.addi %broadcast_in_dim3A_75, %add3A_461 : vector<16xi32>
      %select_n3A_463 = arith.select %lt3A_459, %add3A_462, %broadcast_in_dim3A_75 : vector<16xi1>, vector<16xi32>
      %reshape3A_464 = vector.shape_cast %select_n3A_463 : vector<16xi32> to vector<16x1xi32>
      %gather3A_465 = vector.shape_cast %reshape3A_464 : vector<16x1xi32> to vector<16xi32>
      %gather3A_466 = tpu.dynamic_gather %get3A_92[%gather3A_465] in [0] : vector<16xf32>, vector<16xi32> -> vector<16xf32>
      %add3A_467 = arith.addf %scan3A_232#15, %gather3A_466 : vector<16xf32>
      %max3A_468 = arith.constant 0.000000e+00 : f32
      %max3A_469 = vector.broadcast %max3A_468 : f32 to vector<16xf32>
      %max3A_470 = arith.maximumf %add3A_467, %max3A_469 : vector<16xf32>
      tpu.vector_store_idx %arg7[%broadcast_in_dim3A_75, %add3A_414], %max3A_470 : memref<12x64xf32, #tpu.memory_space<vmem>>[vector<16xi32>, vector<16xi32>], vector<16xf32>,
      %lt3A_471 = arith.constant 0 : i32
      %lt3A_472 = vector.broadcast %lt3A_471 : i32 to vector<16xi32>
      %lt3A_473 = arith.cmpi slt, %broadcast_in_dim3A_77, %lt3A_472 : vector<16xi32>
      %add3A_474 = arith.constant 16 : i32
      %add3A_475 = vector.broadcast %add3A_474 : i32 to vector<16xi32>
      %add3A_476 = arith.addi %broadcast_in_dim3A_77, %add3A_475 : vector<16xi32>
      %select_n3A_477 = arith.select %lt3A_473, %add3A_476, %broadcast_in_dim3A_77 : vector<16xi1>, vector<16xi32>
      %reshape3A_478 = vector.shape_cast %select_n3A_477 : vector<16xi32> to vector<16x1xi32>
      %gather3A_479 = vector.shape_cast %reshape3A_478 : vector<16x1xi32> to vector<16xi32>
      %gather3A_480 = tpu.dynamic_gather %get3A_92[%gather3A_479] in [0] : vector<16xf32>, vector<16xi32> -> vector<16xf32>
      %add3A_481 = arith.addf %scan3A_232#16, %gather3A_480 : vector<16xf32>
      %max3A_482 = arith.constant 0.000000e+00 : f32
      %max3A_483 = vector.broadcast %max3A_482 : f32 to vector<16xf32>
      %max3A_484 = arith.maximumf %add3A_481, %max3A_483 : vector<16xf32>
      tpu.vector_store_idx %arg7[%broadcast_in_dim3A_77, %add3A_414], %max3A_484 : memref<12x64xf32, #tpu.memory_space<vmem>>[vector<16xi32>, vector<16xi32>], vector<16xf32>,
      %lt3A_485 = arith.constant 0 : i32
      %lt3A_486 = vector.broadcast %lt3A_485 : i32 to vector<16xi32>
      %lt3A_487 = arith.cmpi slt, %broadcast_in_dim3A_79, %lt3A_486 : vector<16xi32>
      %add3A_488 = arith.constant 16 : i32
      %add3A_489 = vector.broadcast %add3A_488 : i32 to vector<16xi32>
      %add3A_490 = arith.addi %broadcast_in_dim3A_79, %add3A_489 : vector<16xi32>
      %select_n3A_491 = arith.select %lt3A_487, %add3A_490, %broadcast_in_dim3A_79 : vector<16xi1>, vector<16xi32>
      %reshape3A_492 = vector.shape_cast %select_n3A_491 : vector<16xi32> to vector<16x1xi32>
      %gather3A_493 = vector.shape_cast %reshape3A_492 : vector<16x1xi32> to vector<16xi32>
      %gather3A_494 = tpu.dynamic_gather %get3A_92[%gather3A_493] in [0] : vector<16xf32>, vector<16xi32> -> vector<16xf32>
      %add3A_495 = arith.addf %scan3A_232#17, %gather3A_494 : vector<16xf32>
      %max3A_496 = arith.constant 0.000000e+00 : f32
      %max3A_497 = vector.broadcast %max3A_496 : f32 to vector<16xf32>
      %max3A_498 = arith.maximumf %add3A_495, %max3A_497 : vector<16xf32>
      tpu.vector_store_idx %arg7[%broadcast_in_dim3A_79, %add3A_414], %max3A_498 : memref<12x64xf32, #tpu.memory_space<vmem>>[vector<16xi32>, vector<16xi32>], vector<16xf32>,
      %lt3A_499 = arith.constant 0 : i32
      %lt3A_500 = vector.broadcast %lt3A_499 : i32 to vector<16xi32>
      %lt3A_501 = arith.cmpi slt, %broadcast_in_dim3A_81, %lt3A_500 : vector<16xi32>
      %add3A_502 = arith.constant 16 : i32
      %add3A_503 = vector.broadcast %add3A_502 : i32 to vector<16xi32>
      %add3A_504 = arith.addi %broadcast_in_dim3A_81, %add3A_503 : vector<16xi32>
      %select_n3A_505 = arith.select %lt3A_501, %add3A_504, %broadcast_in_dim3A_81 : vector<16xi1>, vector<16xi32>
      %reshape3A_506 = vector.shape_cast %select_n3A_505 : vector<16xi32> to vector<16x1xi32>
      %gather3A_507 = vector.shape_cast %reshape3A_506 : vector<16x1xi32> to vector<16xi32>
      %gather3A_508 = tpu.dynamic_gather %get3A_92[%gather3A_507] in [0] : vector<16xf32>, vector<16xi32> -> vector<16xf32>
      %add3A_509 = arith.addf %scan3A_232#18, %gather3A_508 : vector<16xf32>
      %max3A_510 = arith.constant 0.000000e+00 : f32
      %max3A_511 = vector.broadcast %max3A_510 : f32 to vector<16xf32>
      %max3A_512 = arith.maximumf %add3A_509, %max3A_511 : vector<16xf32>
      tpu.vector_store_idx %arg7[%broadcast_in_dim3A_81, %add3A_414], %max3A_512 : memref<12x64xf32, #tpu.memory_space<vmem>>[vector<16xi32>, vector<16xi32>], vector<16xf32>,
      %lt3A_513 = arith.constant 0 : i32
      %lt3A_514 = vector.broadcast %lt3A_513 : i32 to vector<16xi32>
      %lt3A_515 = arith.cmpi slt, %broadcast_in_dim3A_83, %lt3A_514 : vector<16xi32>
      %add3A_516 = arith.constant 16 : i32
      %add3A_517 = vector.broadcast %add3A_516 : i32 to vector<16xi32>
      %add3A_518 = arith.addi %broadcast_in_dim3A_83, %add3A_517 : vector<16xi32>
      %select_n3A_519 = arith.select %lt3A_515, %add3A_518, %broadcast_in_dim3A_83 : vector<16xi1>, vector<16xi32>
      %reshape3A_520 = vector.shape_cast %select_n3A_519 : vector<16xi32> to vector<16x1xi32>
      %gather3A_521 = vector.shape_cast %reshape3A_520 : vector<16x1xi32> to vector<16xi32>
      %gather3A_522 = tpu.dynamic_gather %get3A_92[%gather3A_521] in [0] : vector<16xf32>, vector<16xi32> -> vector<16xf32>
      %add3A_523 = arith.addf %scan3A_232#19, %gather3A_522 : vector<16xf32>
      %max3A_524 = arith.constant 0.000000e+00 : f32
      %max3A_525 = vector.broadcast %max3A_524 : f32 to vector<16xf32>
      %max3A_526 = arith.maximumf %add3A_523, %max3A_525 : vector<16xf32>
      tpu.vector_store_idx %arg7[%broadcast_in_dim3A_83, %add3A_414], %max3A_526 : memref<12x64xf32, #tpu.memory_space<vmem>>[vector<16xi32>, vector<16xi32>], vector<16xf32>,
      %lt3A_527 = arith.constant 0 : i32
      %lt3A_528 = vector.broadcast %lt3A_527 : i32 to vector<16xi32>
      %lt3A_529 = arith.cmpi slt, %broadcast_in_dim3A_85, %lt3A_528 : vector<16xi32>
      %add3A_530 = arith.constant 16 : i32
      %add3A_531 = vector.broadcast %add3A_530 : i32 to vector<16xi32>
      %add3A_532 = arith.addi %broadcast_in_dim3A_85, %add3A_531 : vector<16xi32>
      %select_n3A_533 = arith.select %lt3A_529, %add3A_532, %broadcast_in_dim3A_85 : vector<16xi1>, vector<16xi32>
      %reshape3A_534 = vector.shape_cast %select_n3A_533 : vector<16xi32> to vector<16x1xi32>
      %gather3A_535 = vector.shape_cast %reshape3A_534 : vector<16x1xi32> to vector<16xi32>
      %gather3A_536 = tpu.dynamic_gather %get3A_92[%gather3A_535] in [0] : vector<16xf32>, vector<16xi32> -> vector<16xf32>
      %add3A_537 = arith.addf %scan3A_232#20, %gather3A_536 : vector<16xf32>
      %max3A_538 = arith.constant 0.000000e+00 : f32
      %max3A_539 = vector.broadcast %max3A_538 : f32 to vector<16xf32>
      %max3A_540 = arith.maximumf %add3A_537, %max3A_539 : vector<16xf32>
      tpu.vector_store_idx %arg7[%broadcast_in_dim3A_85, %add3A_414], %max3A_540 : memref<12x64xf32, #tpu.memory_space<vmem>>[vector<16xi32>, vector<16xi32>], vector<16xf32>,
      %lt3A_541 = arith.constant 0 : i32
      %lt3A_542 = vector.broadcast %lt3A_541 : i32 to vector<16xi32>
      %lt3A_543 = arith.cmpi slt, %broadcast_in_dim3A_87, %lt3A_542 : vector<16xi32>
      %add3A_544 = arith.constant 16 : i32
      %add3A_545 = vector.broadcast %add3A_544 : i32 to vector<16xi32>
      %add3A_546 = arith.addi %broadcast_in_dim3A_87, %add3A_545 : vector<16xi32>
      %select_n3A_547 = arith.select %lt3A_543, %add3A_546, %broadcast_in_dim3A_87 : vector<16xi1>, vector<16xi32>
      %reshape3A_548 = vector.shape_cast %select_n3A_547 : vector<16xi32> to vector<16x1xi32>
      %gather3A_549 = vector.shape_cast %reshape3A_548 : vector<16x1xi32> to vector<16xi32>
      %gather3A_550 = tpu.dynamic_gather %get3A_92[%gather3A_549] in [0] : vector<16xf32>, vector<16xi32> -> vector<16xf32>
      %add3A_551 = arith.addf %scan3A_232#21, %gather3A_550 : vector<16xf32>
      %max3A_552 = arith.constant 0.000000e+00 : f32
      %max3A_553 = vector.broadcast %max3A_552 : f32 to vector<16xf32>
      %max3A_554 = arith.maximumf %add3A_551, %max3A_553 : vector<16xf32>
      tpu.vector_store_idx %arg7[%broadcast_in_dim3A_87, %add3A_414], %max3A_554 : memref<12x64xf32, #tpu.memory_space<vmem>>[vector<16xi32>, vector<16xi32>], vector<16xf32>,
      %lt3A_555 = arith.constant 0 : i32
      %lt3A_556 = vector.broadcast %lt3A_555 : i32 to vector<16xi32>
      %lt3A_557 = arith.cmpi slt, %broadcast_in_dim3A_89, %lt3A_556 : vector<16xi32>
      %add3A_558 = arith.constant 16 : i32
      %add3A_559 = vector.broadcast %add3A_558 : i32 to vector<16xi32>
      %add3A_560 = arith.addi %broadcast_in_dim3A_89, %add3A_559 : vector<16xi32>
      %select_n3A_561 = arith.select %lt3A_557, %add3A_560, %broadcast_in_dim3A_89 : vector<16xi1>, vector<16xi32>
      %reshape3A_562 = vector.shape_cast %select_n3A_561 : vector<16xi32> to vector<16x1xi32>
      %gather3A_563 = vector.shape_cast %reshape3A_562 : vector<16x1xi32> to vector<16xi32>
      %gather3A_564 = tpu.dynamic_gather %get3A_92[%gather3A_563] in [0] : vector<16xf32>, vector<16xi32> -> vector<16xf32>
      %add3A_565 = arith.addf %scan3A_232#22, %gather3A_564 : vector<16xf32>
      %max3A_566 = arith.constant 0.000000e+00 : f32
      %max3A_567 = vector.broadcast %max3A_566 : f32 to vector<16xf32>
      %max3A_568 = arith.maximumf %add3A_565, %max3A_567 : vector<16xf32>
      tpu.vector_store_idx %arg7[%broadcast_in_dim3A_89, %add3A_414], %max3A_568 : memref<12x64xf32, #tpu.memory_space<vmem>>[vector<16xi32>, vector<16xi32>], vector<16xf32>,
      %lt3A_569 = arith.constant 0 : i32
      %lt3A_570 = vector.broadcast %lt3A_569 : i32 to vector<16xi32>
      %lt3A_571 = arith.cmpi slt, %broadcast_in_dim3A_91, %lt3A_570 : vector<16xi32>
      %add3A_572 = arith.constant 16 : i32
      %add3A_573 = vector.broadcast %add3A_572 : i32 to vector<16xi32>
      %add3A_574 = arith.addi %broadcast_in_dim3A_91, %add3A_573 : vector<16xi32>
      %select_n3A_575 = arith.select %lt3A_571, %add3A_574, %broadcast_in_dim3A_91 : vector<16xi1>, vector<16xi32>
      %reshape3A_576 = vector.shape_cast %select_n3A_575 : vector<16xi32> to vector<16x1xi32>
      %gather3A_577 = vector.shape_cast %reshape3A_576 : vector<16x1xi32> to vector<16xi32>
      %gather3A_578 = tpu.dynamic_gather %get3A_92[%gather3A_577] in [0] : vector<16xf32>, vector<16xi32> -> vector<16xf32>
      %add3A_579 = arith.addf %scan3A_232#23, %gather3A_578 : vector<16xf32>
      %max3A_580 = arith.constant 0.000000e+00 : f32
      %max3A_581 = vector.broadcast %max3A_580 : f32 to vector<16xf32>
      %max3A_582 = arith.maximumf %add3A_579, %max3A_581 : vector<16xf32>
      tpu.vector_store_idx %arg7[%broadcast_in_dim3A_91, %add3A_414], %max3A_582 : memref<12x64xf32, #tpu.memory_space<vmem>>[vector<16xi32>, vector<16xi32>], vector<16xf32>,
    }
    %scan3A_97 = arith.constant 2 : i32
    %mul3A_98 = arith.constant 24 : i32
    %mul3A_99 = arith.muli %select_n3A, %mul3A_98 : i32
    %add3A_100 = arith.constant 12 : i32
    %add3A_101 = arith.addi %mul3A_99, %add3A_100 : i32
    %mul3A_102 = arith.constant 16 : i32
    %mul3A_103 = arith.muli %mul3A_32, %mul3A_102 : i32
    "tpu.region"() ({
      %run_scoped3A = tpu.sem_alloc : memref<!tpu.dma_semaphore, #tpu.memory_space<semaphore_mem>>
      %dma_start3A_104 = tpu.memref_slice %arg4[%add3A_101, %mul3A_103] : memref<96x512xf32, #tpu.memory_space<hbm>> -> memref<12x64xf32, #tpu.memory_space<hbm>>
      %dma_start3A_105 = tpu.memref_slice %arg4[%add3A_101, %mul3A_103] : memref<96x512xf32, #tpu.memory_space<hbm>> -> memref<12x64xf32, #tpu.memory_space<hbm>>
      tpu.enqueue_dma source(%arg7 : memref<12x64xf32, #tpu.memory_space<vmem>>) target(%dma_start3A_105 : memref<12x64xf32, #tpu.memory_space<hbm>>) target_semaphore(%run_scoped3A : memref<!tpu.dma_semaphore, #tpu.memory_space<semaphore_mem>>)
      %dma_wait3A_106 = tpu.memref_slice %arg4[%add3A_101, %mul3A_103] : memref<96x512xf32, #tpu.memory_space<hbm>> -> memref<12x64xf32, #tpu.memory_space<hbm>>
      %dma_wait3A_107 = tpu.memref_slice %arg4[%add3A_101, %mul3A_103] : memref<96x512xf32, #tpu.memory_space<hbm>> -> memref<12x64xf32, #tpu.memory_space<hbm>>
      tpu.wait_dma2 semaphore(%run_scoped3A : memref<!tpu.dma_semaphore, #tpu.memory_space<semaphore_mem>>) src(%arg7 : memref<12x64xf32, #tpu.memory_space<vmem>>) dst(%dma_wait3A_107 : memref<12x64xf32, #tpu.memory_space<hbm>>)
      tpu.yield
    }) : () -> ()
    return
  }
}

</mosaic_0001>

<sc_bundles>
// kernel: _run.3.cloned.1.call-start
scs
__scs_entry_jumppad:
0x0: {  	(pc) =	sbr.rel $0x88, $3  }
0x1: {  	(tag) =	ssettag $0x0;
	lr =	simm.s32 $0x1  }
0x2: {  	[smem:$0x3F9F] =	sst lr;
	_ =	strace $0xD0000000  }
0x3: {  	_ = 	snop  }
0x4: {  	_ = 	snop  }
0x5: {  	_ = 	snop  }
0x6: {  	_ = 	snop  }
0x7: {  	_ = 	snop  }
__scs_overlays_trampoline_lowered:
0x8: {  	[smem:$0x3FAE] =	sst s0  }
0x9: {  	[smem:$0x3FAF] =	sst s1  }
0xa: {  	[smem:$0x3FB0] =	sst s2  }
0xb: {  	[smem:$0x3FB1] =	sst s3  }
0xc: {  	[smem:$0x3FB2] =	sst s4  }
0xd: {  	[smem:$0x3FB3] =	sst s5  }
0xe: {  	[smem:$0x3FB4] =	sst s6  }
0xf: {  	[smem:$0x3FB5] =	sst s7  }
0x10: {  	[smem:$0x3FB6] =	sst s8  }
0x11: {  	[smem:$0x3FB7] =	sst s9;
	s0 =	simm.s32 @!p0 $0x0  }
0x12: {  	s1 =	sld [smem:$0x3F9D];
	s0 =	simm.s32 @p0 $0x1  }
0x13: {  	[smem:$0x3FB8] =	sst s0;
	s0 =	simm.s32 @!p1 $0x0  }
0x14: {  	s2 =	sld [smem:$0x3F9C];
	s0 =	simm.s32 @p1 $0x1  }
0x15: {  	[smem:$0x3FB9] =	sst s0;
	s0 =	simm.s32 @!p2 $0x0  }
0x16: {  	s3 =	sld [smem:$0x3FDB];
	s0 =	simm.s32 @p2 $0x1  }
0x17: {  	s4 =	simm.s32 $0x1BF5;
	[smem:$0x3FBB] =	sst s0  }
0x18: {  	s0 =	sld [smem:$0x3F9E];
	_ =	swait.ge [sflag:s4], $0x0  }
0x19: {  	s7 =	sld [smem:$0x3F9F]  }
0x1a: {  	s8 =	sadd.s32 $0xFFFFE003, lr  }
0x1b: {  	s9 =	sadd.s32 $0xFFFFFEF7, lr;
	s5 =	simm.s32 $0xFFFFFFFF;
	p2 =	slt.u32 s8, $0xFFFFF086  }
0x1c: {  	p1 =	slt.u32 s9, $0xF7A;
	s5 =	simm.s32 @!p2 $0x0  }
0x1d: {  	s5 =	simm.s32 @p1 $0x1;
	p0 =	seq.s32 s7, s2  }
0x1e: {  	s7 =	smul.u32 @!p0 $0xF7A, s2;
	p2 =	seq.s32 @!p0 s5, $0x0  }
0x1f: {  	s9 =	smul.u32 $0xF7A, s1;
	s8 =	simm.s32 @!p0 $0x1BF5;
	p2 =	por !p2, p0  }
0x20: {  	[sflag:s8] =	ssyncset.s32 @!p0 $0xFFFFF086;
	s6 =	sadd.s32 @!p0 s3, s7;
	s7 =	simm.s32 @!p0 $0x108  }
0x21: {  	s3 =	sadd.s32 s3, s9;
	s6 =	sadd.s32 @!p0 $0x88, s6;
	s7 =	simm.s32 @p2 $0x1082  }
0x22: {  	[simem:s7], [sflag:s8] =	dma.local @!p0 [hbm:s6], $0xF7A  }
0x23: {  	s9 =	sor.u32 $0xD0000000, s2;
	s6 =	simm.s32 $0x108;
	_ =	swait.ge @!p0 [sflag:s8], $0x0  }
0x24: {  	s3 =	sadd.s32 $0x88, s3;
	s6 =	simm.s32 @!p1 $0x1082;
	[sflag:s4] =	ssyncset.s32 $0xFFFFF086  }
0x25: {  	[simem:s6], [sflag:s4] =	dma.local [hbm:s3], $0xF7A  }
0x26: {  	[smem:$0x3F9F] =	sst s1;
	(tag) =	ssettag s2;
	_ =	strace s9  }
0x27: {  	s1 =	sld [smem:$0x3FAF]  }
0x28: {  	s2 =	sld [smem:$0x3FB0]  }
0x29: {  	s4 =	sld [smem:$0x3FB2]  }
0x2a: {  	p0 =	seq.s32 s5, $0x0;
	s5 =	sld [smem:$0x3FB3]  }
0x2b: {  	s6 =	sld [smem:$0x3FB4]  }
0x2c: {  	s7 =	sld [smem:$0x3FB5]  }
0x2d: {  	s3 =	simm.s32 $0x108;
	s8 =	sld [smem:$0x3FB6]  }
0x2e: {  	s3 =	simm.s32 @!p0 $0x1082;
	s9 =	sld [smem:$0x3FB7]  }
0x2f: {  	lr =	sadd.s32 s0, s3;
	s0 =	sld [smem:$0x3FAE]  }
0x30: {  	s3 =	sld [smem:$0x3FB1]  }
0x31: {  	[smem:$0x3FBA] =	sst s10  }
0x32: {  	s10 =	sld [smem:$0x3FB8];
	_ =	sdelay $0x3  }
0x33: {  	p0 =	seq.s32 s10, $0x1;
	s10 =	sld [smem:$0x3FBA];
	_ =	sdelay $0x3  }
0x34: {  	[smem:$0x3FBA] =	sst s10  }
0x35: {  	s10 =	sld [smem:$0x3FB9];
	_ =	sdelay $0x3  }
0x36: {  	p1 =	seq.s32 s10, $0x1;
	s10 =	sld [smem:$0x3FBA];
	_ =	sdelay $0x3  }
0x37: {  	[smem:$0x3FBA] =	sst s10  }
0x38: {  	s10 =	sld [smem:$0x3FBB]  }
0x39: {  	_ = 	snop;
	(pc) =	sbr.ind lr, $3  }
0x3a: {  	_ = 	snop  }
0x3b: {  	_ = 	snop  }
0x3c: {  	p2 =	seq.s32 s10, $0x1;
	s10 =	sld [smem:$0x3FBA]  }
0x3d: {  	_ =	shalt  }
0x3e: {  	_ =	shalt  }
0x3f: {  	_ =	shalt  }
0x40: {  	_ =	shalt  }
0x41: {  	_ =	shalt  }
0x42: {  	_ =	shalt  }
0x43: {  	_ =	shalt  }
0x44: {  	_ =	shalt  }
0x45: {  	_ =	shalt  }
0x46: {  	_ =	shalt  }
0x47: {  	_ =	shalt  }
0x48: {  	_ =	shalt  }
0x49: {  	_ =	shalt  }
0x4a: {  	_ =	shalt  }
0x4b: {  	_ =	shalt  }
0x4c: {  	_ =	shalt  }
0x4d: {  	_ =	shalt  }
0x4e: {  	_ =	shalt  }
0x4f: {  	_ =	shalt  }
0x50: {  	_ =	shalt  }
0x51: {  	_ =	shalt  }
0x52: {  	_ =	shalt  }
0x53: {  	_ =	shalt  }
0x54: {  	_ =	shalt  }
0x55: {  	_ =	shalt  }
0x56: {  	_ =	shalt  }
0x57: {  	_ =	shalt  }
0x58: {  	_ =	shalt  }
0x59: {  	_ =	shalt  }
0x5a: {  	_ =	shalt  }
0x5b: {  	_ =	shalt  }
0x5c: {  	_ =	shalt  }
0x5d: {  	_ =	shalt  }
0x5e: {  	_ =	shalt  }
0x5f: {  	_ =	shalt  }
0x60: {  	_ =	shalt  }
0x61: {  	_ =	shalt  }
0x62: {  	_ =	shalt  }
0x63: {  	_ =	shalt  }
0x64: {  	_ =	shalt  }
0x65: {  	_ =	shalt  }
0x66: {  	_ =	shalt  }
0x67: {  	_ =	shalt  }
0x68: {  	_ =	shalt  }
0x69: {  	_ =	shalt  }
0x6a: {  	_ =	shalt  }
0x6b: {  	_ =	shalt  }
0x6c: {  	_ =	shalt  }
0x6d: {  	_ =	shalt  }
0x6e: {  	_ =	shalt  }
0x6f: {  	_ =	shalt  }
0x70: {  	_ =	shalt  }
0x71: {  	_ =	shalt  }
0x72: {  	_ =	shalt  }
0x73: {  	_ =	shalt  }
0x74: {  	_ =	shalt  }
0x75: {  	_ =	shalt  }
0x76: {  	_ =	shalt  }
0x77: {  	_ =	shalt  }
0x78: {  	_ =	shalt  }
0x79: {  	_ =	shalt  }
0x7a: {  	_ =	shalt  }
0x7b: {  	_ =	shalt  }
0x7c: {  	_ =	shalt  }
0x7d: {  	_ =	shalt  }
0x7e: {  	_ =	shalt  }
0x7f: {  	_ =	shalt  }
0x80: {  	_ =	shalt  }
0x81: {  	_ =	shalt  }
0x82: {  	_ =	shalt  }
0x83: {  	_ =	shalt  }
0x84: {  	_ =	shalt  }
0x85: {  	_ =	shalt  }
0x86: {  	_ =	shalt  }
0x87: {  	_ =	shalt  }
.Lfunc_end0:
.L_simem_size_0:
called_computation_lowered:
.L_overlay_start_0:
0x88: {  	s2 =	sld [smem:$0x3FD9]  }
0x89: {  	s3 =	sld [smem:$0x3FFE];
	_ =	sdelay $0x1  }
0x8a: {  	s1 =	srdreg.scid  }
0x8b: {  	s0 =	sand.u32 $0x1, s1  }
0x8c: {  	s17 =	sshll.u32 s0, $0xA;
	s2 =	sadd.s32 s3, s2  }
0x8d: {  	s2 =	sadd.s32 s2, s17  }
0x8e: {  	[smem:$0x3FC6] =	sst s2  }
0x8f: {  	_ = 	snop  }
0x90: {  	s2 =	sld [smem:$0x3FC8]  }
0x91: {  	s18 =	sld [smem:$0x3FD0];
	(tm) =	ssettm $0x1  }
0x92: {  	s4 =	sld [smem:$0x3FFB];
	_ =	sdelay $0x3  }
0x93: {  	_ =	strace s4  }
0x94: {  	s4 =	sld [smem:$0x3FFC];
	_ =	sdelay $0x3  }
0x95: {  	_ =	strace s4  }
0x96: {  	s4 =	sld [smem:$0x3FFD];
	_ =	sdelay $0x3  }
0x97: {  	_ =	strace s4  }
0x98: {  	_ =	strace $0x8FFFFFFF  }
0x99: {  	s19 =	sld [smem:$0x3FDB];
	_ =	sdelay $0x1  }
0x9a: {  	s5 =	simm.s32 $_scs_section_size  }
0x9b: {  	s6 =	simm.s32 $_size__tile_overlayer_lowered;
	s7 =	simm.s32 $_tile_overlayer_lowered  }
0x9c: {  	s22 =	simm.s32 $0x1BFF;
	s21 =	sshll.u32 s7, $0x1;
	s4 =	sadd.s32 s5, s19  }
0x9d: {  	s8 =	simm.s32 $0x0;
	s20 =	sshll.u32 s6, $0x1;
	s6 =	sadd.s32 s21, s4  }
0x9e: {  	[timem:s8], [sflag:s22] =	dma.local [hbm:s6], s20  }
0x9f: {  	_ =	swait.ge [sflag:s22], s20  }
0xa0: {  	s5 =	ssub.s32 $0x0, s20;
	[sflag:s22] =	ssyncset.done $0x0  }
0xa1: {  	[sflag:s22] =	ssyncadd.s32 s5;
	_ =	sdelay $0x1  }
0xa2: {  	s23 =	simm.s32 $0x1B8B  }
0xa3: {  	_ =	swait.ge [sflag:s23], $0x1  }
0xa4: {  	[sflag:s23] =	ssyncset.done $0x0  }
0xa5: {  	s25 =	simm.s32 $0x1B8E;
	s24 =	sld [smem:$0x3FFE];
	[sflag:s23] =	ssyncadd.s32 $0xFFFFFFFF  }
0xa6: {  	s26 =	simm.s32 $execute0_lowered;
	[smem:$0x3FD2] =	sst s25  }
0xa7: {  	s6 =	sshll.u32 s26, $0x1;
	_ =	strace $0x80000046;
	[dreg:$0x1] =	wrdreg $0xFFFFFFFF  }
0xa8: {  	s28 =	simm.s32 $_size_execute0_lowered;
	s4 =	sadd.s32 s4, s6;
	[dreg:$0x0] =	wrdreg $0x0  }
0xa9: {  	s6 =	sshll.u32 s28, $0x1;
	[dreg:$0x2] =	wrdreg s4  }
0xaa: {  	[dreg:$0x3] =	wrdreg s6  }
0xab: {  	[dreg:$0x4] =	wrdreg $0xC0  }
0xac: {  	_ =	task [dreg:s8], $0x5FFFF  }
0xad: {  	[dreg:$0x1] =	wrdreg $0xFFFFFFFF  }
0xae: {  	[dreg:$0x0] =	wrdreg $0x60  }
0xaf: {  	[dreg:$0x2] =	wrdreg s18  }
0xb0: {  	[dreg:$0x3] =	wrdreg s2  }
0xb1: {  	[dreg:$0x4] =	wrdreg s24  }
0xb2: {  	[dreg:$0x5] =	wrdreg $0x9  }
0xb3: {  	_ =	task.clear_ibuf [dreg:s8], $0x6FFFF;
	_ =	strace $0x90000046  }
0xb4: {  	s29 =	simm.s32 $0x9;
	_ =	strace $0x80000048  }
0xb5: {  	_ =	swait.ge [sflag:s29], $0x1  }
0xb6: {  	[sflag:s29] =	ssyncadd.s32 $0xFFFFFFFF  }
0xb7: {  	_ =	strace $0x90000048  }
0xb8: {  	_ =	sfence  }
0xb9: {  	s30 =	sld [smem:$0x0];
	_ =	sdelay $0x2  }
0xba: {  	s31 =	sshll.u32 s1, $0xD;
	s1 =	sshrl.u32 s1, $0x2  }
0xbb: {  	s3 =	sand.u32 $0x4000, s31;
	s1 =	sadd.s32 s1, s30  }
0xbc: {  	s0 =	sor.u32 s3, s0;
	s1 =	sshll.u32 s1, $0x11  }
0xbd: {  	s0 =	sor.u32 s1, s0  }
0xbe: {  	s0 =	sadd.s32 $0x8F2B, s0  }
0xbf: {  	[sflag:s0] =	ssyncadd.remote.s32 $0x1  }
0xc0: {  	_ =	sfence.sel $0xFFFF  }
0xc1: {  	[dreg:$0x0] =	wrdreg $0xFFFFFFFF;
	(pc) =	sbr.abs _section_cstart, $3  }
0xc2: {  	[dreg:$0x1] =	wrdreg $0xFFFFFFFF  }
0xc3: {  	_ =	task.clear_ibuf [dreg:s8], $0x2FFFF;
	_ =	strace $0x9FFFFFFF  }
0xc4: {  	(tm) =	ssettm $0x7FFFFFFF  }
0xc5: {  	_ =	shalt  }
tec
execute0_lowered:
.L_overlay_start_1:
0x0: {  	(tag) =	ssettag $0x1  }
0x1: {  	s5 =	rddreg [dreg:$0x0]  }
0x2: {  	s2 =	rddreg [dreg:$0x1]  }
0x3: {  	s4 =	rddreg [dreg:$0x2]  }
0x4: {  	s0 =	rddreg [dreg:$0x3];
	s3 =	simm.s32 $0x0;
	s1 =	stileid.u32  }
0x5: {  	s6 =	srdreg.scid;
	s13 =	simm.s32 $0x40;
	s14 =	simm.s32 $0x200  }
0x6: {  	s15 =	simm.s32 $0x3;
	s16 =	simm.s32 $0x0;
	[smem:$0x7FF] =	sst s3  }
0x7: {  	s7 =	sshll.u32 s1, $0x1;
	s6 =	sand.u32 $0x1, s6;
	s8 =	sshrl.u32 s1, $0x2  }
0x8: {  	v40 =	vlaneseq.u32;
	s10 =	sadd.s32 $0x400, s4;
	s7 =	sand.u32 $0x6, s7;
	s26 =	smul.u32 $0x3000, s8  }
0x9: {  	v50 =	vimm.s32 $0x9;
	v51 =	vimm.s32 $0x6;
	v62 =	vand.u32 $0x1, v40;
	_ =	strace $0x80000047;
	s28 =	ssub.s32 $0x2, s6;
	s12 =	smul.u32 $0x300, s8  }
0xa: {  	v49 =	vimm.s32 $0x0;
	v55 =	vimm.s32 $0x1;
	v42 =	vor.u32 $0x800, v40;
	s30 =	smul.u32 $0x600, s8;
	[tilespmem:$0x1FFB0] =	vst v62;
	s9 =	sor.u32 s6, s7;
	s11 =	sshrl.u32 s28, $0x1  }
0xb: {  	v59 =	vimm.s32 $0x2;
	v0 =	vshrl.u32 v40, $0x1;
	v52 =	vor.u32 $0x810, v40;
	[tilespmem:$0x1FFD0] =	vst v42;
	s29 =	sshll.u32 s9, $0x6;
	s11 =	ssub.s32 s28, s11;
	s4 =	sshll.u32 s9, $0x2  }
0xc: {  	v61 =	vimm.s32 $0x3;
	v60 =	vor.u32 $0x830, v40;
	v1 =	vmul.u32 $0x4, v0;
	[tilespmem:$0x1FFE0] =	vst v52;
	s5 =	sadd.s32 s5, s12;
	p0 =	sne.s32 s9, $0x0;
	s6 =	sor.u32 s29, s26  }
0xd: {  	v41 =	vimm.s32 $0x5;
	v33 =	vimm.s32 $0x7;
	v0 =	vadd.s32 $0xFF, v0;
	[tilespmem:$0x1FFF0] =	vst v60;
	s9 =	simm.s32 $0x1800;
	s12 =	simm.s32 $0x2310;
	s6 =	sadd.s32 $0x1800, s6  }
0xe: {  	v44 =	vimm.s32 $0x8;
	v45 =	vimm.s32 $0xA;
	[tilespmem:$0x1FFA0] =	vst v0;
	v63 =	vor.u32 $0x400, v1;
	s8 =	smax.u32 s11, $0x1;
	s11 =	simm.s32 $0x2;
	s31 =	sshrl.u32 s6, $0x3  }
0xf: {  	v35 =	vimm.s32 $0xB;
	v56 =	vor.u32 $0x820, v40;
	v62 =	vimm.s32 $0x4;
	[tilespmem:$0x1FFC0] =	vst v63;
	s6 =	sadd.s32 s10, s30;
	s7 =	sadd.s32 s10, s31;
	s10 =	simm.s32 $0x1  }
.LBB2_1:
0x10: {  	[tilespmem:s3], [sflag:$0x1] =	stream.linear.gather [hbm4b:s5+s3], $0x1800, $0x38;
	[tilespmem:$0x2610] =	vst v63  }
0x11: {  	_ = 	snop  }
0x12: {  	[tilespmem:s9], [sflag:$0x2] =	stream.linear.gather [hbm4b:s2+s3], $0xB10, $0x38;
	[tilespmem:$0x2610] =	vst v63  }
0x13: {  	_ =	swait.ge [sflag:s10], $0x1800  }
0x14: {  	[sflag:s10] =	ssyncset.done $0x0  }
0x15: {  	[sflag:s10] =	ssyncadd.s32 $0xFFFFE800  }
0x16: {  	_ =	swait.ge [sflag:s11], $0xB10  }
0x17: {  	[sflag:s11] =	ssyncset.done $0x0  }
0x18: {  	s17 =	simm.s32 @!p0 $0x0;
	[sflag:s11] =	ssyncadd.s32 $0xFFFFF4F0  }
0x19: {  	[hbm4b:s6+s17] =	stream.linear.scatter @!p0 [tilespmem:s17], [sflag:$0x3], $0x1800, $0x38;
	[tilespmem:$0x2610] =	vst v63  }
0x1a: {  	s17 =	simm.s32 @!p0 $0x3  }
0x1b: {  	_ =	swait.ge @!p0 [sflag:s17], $0x1800  }
0x1c: {  	[sflag:s17] =	ssyncset.done @!p0 $0x0  }
0x1d: {  	[sflag:s17] =	ssyncadd.s32 @!p0 $0xFFFFE800  }
0x1e: {  	v0 =	vld [tilespmem:$0x2300];
	_ =	sdelay $0x4  }
0x1f: {  	p2 =	por $0x1, $0x1;
	s17 =	simm.s32 $0x0;
	[tilespmem:$0x1FF90] =	vst v0  }
.LBB2_2:
0x20: {  	s18 =	sshll.u32 s17, $0x1;
	v7 =	vld [tilespmem:$0x1FFC0]  }
0x21: {  	s20 =	simm.s32 $0x0;
	s18 =	sor.u32 s4, s18  }
0x22: {  	v4 =	vld [tilespmem:$0x1FFA0];
	v1 =	vmov s20;
	s19 =	sshll.u32 s18, $0x3  }
0x23: {  	v6 =	vshll.u32 v1, $0x6;
	v2 =	vmov s19  }
0x24: {  	v5 =	vor.u32 v60, v6;
	v2 =	vshll.u32 v2, $0x2  }
0x25: {  	v9 =	vor.u32 v7, v2  }
0x26: {  	s29 =	sor.u32 $0x1, s18;
	v8 =	vor.u32 $0x3, v9  }
0x27: {  	s30 =	sshll.u32 s29, $0x3;
	v0 =	vadd.s32 s19, v4;
	v23 =	vor.u32 $0x2, v9  }
0x28: {  	v11 =	vld [tilespmem:$0x1FFB0];
	v2 =	vmov s30;
	v0 =	vand.u32 $0xFF, v0;
	v31 =	vor.u32 $0x1, v9  }
0x29: {  	v2 =	vshll.u32 v2, $0x2;
	v3 =	vshll.u32 v0, $0x2;
	v10 =	vld.idx.msk [tilespmem:v5+s9+$0x0], $0xffff  }
0x2a: {  	v17 =	vadd.s32 v7, v2;
	v46 =	vld.idx.msk [tilespmem:v9+s9+$0x0], $0xffff  }
0x2b: {  	v1 =	vshll.u32 v1, $0x9;
	s31 =	sshll.u32 s29, $0x4;
	v4 =	vadd.s32 s30, v4;
	v2 =	vor.u32 $0x1, v3;
	v37 =	vld.idx.msk [tilespmem:v8+s9+$0x0], $0xffff  }
0x2c: {  	v18 =	vor.u32 s31, v40;
	v4 =	vand.u32 $0xFF, v4;
	v7 =	vor.u32 $0x3, v3;
	v54 =	vld.idx.msk [tilespmem:v23+s9+$0x0], $0xffff  }
0x2d: {  	v12 =	vshll.u32 v4, $0x2;
	v0 =	vshll.u32 v0, $0x1;
	v5 =	vor.u32 v56, v6;
	v63 =	vld.idx.msk [tilespmem:v31+s9+$0x0], $0xffff  }
0x2e: {  	s18 =	sshll.u32 s18, $0x4;
	v4 =	vshll.u32 v4, $0x1;
	v15 =	vor.u32 v11, v0;
	v0 =	vor.u32 $0x3, v12;
	v39 =	vld.idx.msk [tilespmem:v3+s9+$0x0], $0xffff  }
0x2f: {  	v4 =	vor.u32 v11, v4;
	v11 =	vor.u32 s18, v40;
	v13 =	vor.u32 $0x3, v17;
	v48 =	vld.idx.msk [tilespmem:v17+s9+$0x0], $0xffff  }
0x30: {  	[tilespmem:$0x1FCE0] =	vst v18;
	v14 =	vadd.s32 v1, v11;
	v57 =	vld.idx.msk [tilespmem:v2+s9+$0x0], $0xffff  }
0x31: {  	[tilespmem:$0x1FCB0] =	vst v11;
	v36 =	vld.idx.msk [tilespmem:v7+s9+$0x0], $0xffff;
	v2 =	vor.u32 v52, v6;
	v20 =	vperm.xlane v10, v49  }
0x32: {  	v16 =	vor.u32 v15, v1;
	v21 =	vld.idx.msk [tilespmem:v5+s9+$0x0], $0xffff;
	v22 =	vperm.xlane v10, v55;
	v11 =	vperm.xlane v10, v59  }
0x33: {  	[tilespmem:$0x1FCD0] =	vst v4;
	v3 =	vor.u32 $0x2, v3;
	v8 =	vperm.xlane v10, v61;
	v5 =	vperm.xlane v10, v62;
	v38 =	vld.idx.msk [tilespmem:v0+s9+$0x0], $0xffff  }
0x34: {  	v0 =	vor.u32 v4, v1;
	v7 =	vperm.xlane v10, v41;
	v4 =	vperm.xlane v10, v51;
	v40 =	vld.idx.msk [tilespmem:v13+s9+$0x0], $0xffff  }
0x35: {  	v1 =	vadd.s32 v1, v18;
	v13 =	vperm.xlane v10, v33;
	v18 =	vperm.xlane v10, v44;
	v26 =	vld.idx.msk [tilespmem:v14+s3+$0x0], $0xffff  }
0x36: {  	v34 =	vor.u32 $0x2, v17;
	[tilespmem:$0x1FCC0] =	vst v15;
	v15 =	vperm.xlane v10, v50;
	v24 =	vld.idx.msk [tilespmem:v2+s9+$0x0], $0xffff;
	v2 =	vperm.xlane v10, v45  }
0x37: {  	v17 =	vor.u32 $0x1, v17;
	v28 =	vld.idx.msk [tilespmem:v16+s3+$0x0], $0xffff;
	v27 =	vperm.xlane v21, v49;
	v10 =	vperm.xlane v10, v35  }
0x38: {  	v47 =	vld.idx.msk [tilespmem:v12+s9+$0x0], $0xffff;
	[tilespmem:$0x1FD90] =	vst v46;
	v29 =	vperm.xlane v21, v55;
	v30 =	vperm.xlane v21, v59  }
0x39: {  	v25 =	vor.u32 $0x2, v12;
	[tilespmem:$0x1FD20] =	vst v37;
	v53 =	vld.idx.msk [tilespmem:v3+s9+$0x0], $0xffff;
	v16 =	vperm.xlane v21, v62;
	v9 =	vperm.xlane v21, v41  }
0x3a: {  	[tilespmem:$0x1FDE0] =	vst v63;
	v32 =	vld.idx.msk [tilespmem:v0+s3+$0x0], $0xffff;
	v3 =	vperm.xlane v21, v33;
	v0 =	vperm.xlane v21, v44  }
0x3b: {  	v6 =	vor.u32 v42, v6;
	[tilespmem:$0x1FD80] =	vst v39;
	v14 =	vperm.xlane v21, v50;
	v23 =	vmul.f32 v37, v26  }
0x3c: {  	v19 =	vld.idx.msk [tilespmem:v17+s9+$0x0], $0xffff;
	v17 =	vmul.f32 v54, v26;
	v39 =	vmul.f32 v39, v28;
	[tilespmem:$0x1FF10] =	vst v2  }
0x3d: {  	v46 =	vmul.f32 v46, v26;
	[tilespmem:$0x1FF40] =	vst v0;
	v0 =	vperm.xlane v21, v45  }
0x3e: {  	v12 =	vor.u32 $0x1, v12;
	v58 =	vld.idx.msk [tilespmem:v25+s9+$0x0], $0xffff;
	v63 =	vmul.f32 v63, v26;
	[tilespmem:$0x1FCF0] =	vst v10;
	v2 =	vperm.xlane v21, v61  }
0x3f: {  	v1 =	vld.idx.msk [tilespmem:v1+s3+$0x0], $0xffff;
	v10 =	vperm.xlane v21, v51;
	[tilespmem:$0x1FF50] =	vst v0;
	v0 =	vperm.xlane v21, v35  }
0x40: {  	[tilespmem:$0x1FD60] =	vst v54;
	v37 =	vld.idx.msk [tilespmem:v6+s9+$0x0], $0xffff;
	v21 =	vmul.f32 v36, v28;
	v6 =	vmul.f32 v53, v28  }
0x41: {  	[tilespmem:$0x1FDA0] =	vst v47;
	v28 =	vmul.f32 v57, v28;
	v25 =	vmul.f32 v38, v32  }
0x42: {  	[tilespmem:$0x1FD10] =	vst v36;
	v31 =	vperm.xlane v24, v49;
	v35 =	vperm.xlane v24, v55  }
0x43: {  	v43 =	vld.idx.msk [tilespmem:v12+s9+$0x0], $0xffff;
	[tilespmem:$0x1FD30] =	vst v38;
	v36 =	vperm.xlane v24, v59;
	v12 =	vperm.xlane v24, v61  }
0x44: {  	v38 =	vmul.f32 v58, v32;
	[tilespmem:$0x1FD00] =	vst v0;
	v0 =	vld.idx.msk [tilespmem:v34+s9+$0x0], $0xffff;
	v34 =	vmul.f32 v40, v1  }
0x45: {  	[tilespmem:$0x1FD40] =	vst v40;
	v54 =	vadd.f32 v23, v21;
	v21 =	vmul.f32 v47, v32;
	v23 =	vmul.f32 v48, v1  }
0x46: {  	[tilespmem:$0x1FDD0] =	vst v57;
	v47 =	vperm.xlane v37, v49;
	v57 =	vadd.f32 v17, v6;
	v6 =	vadd.f32 v63, v28  }
0x47: {  	[tilespmem:$0x1FD50] =	vst v53;
	v28 =	vperm.xlane v37, v55;
	v40 =	vperm.xlane v24, v41;
	v53 =	vadd.f32 v34, v25  }
0x48: {  	v25 =	vadd.f32 v46, v39;
	v26 =	vadd.f32 v23, v21;
	v21 =	vmul.f32 v43, v32  }
0x49: {  	[tilespmem:$0x1FDB0] =	vst v48;
	v48 =	vmul.f32 v0, v1;
	v1 =	vmul.f32 v19, v1  }
0x4a: {  	v39 =	vperm.xlane v24, v62;
	v23 =	vmul.f32 v47, v25  }
0x4b: {  	[tilespmem:$0x1FDC0] =	vst v0;
	v0 =	vimm.f32 $0.0e+00;
	v17 =	vadd.f32 v1, v21;
	v1 =	vmul.f32 v26, v47  }
0x4c: {  	[tilespmem:$0x1FDF0] =	vst v43;
	v43 =	vmul.f32 v28, v25;
	v23 =	vadd.f32 v23, v0;
	v21 =	vmul.f32 v31, v6  }
0x4d: {  	[tilespmem:$0x1FD70] =	vst v58;
	v58 =	vadd.f32 v48, v38;
	v31 =	vmul.f32 v17, v31;
	v1 =	vadd.f32 v1, v0  }
0x4e: {  	v47 =	vmul.f32 v27, v57;
	v21 =	vadd.f32 v21, v23;
	v23 =	vmul.f32 v26, v28  }
0x4f: {  	v28 =	vmul.f32 v35, v6;
	v46 =	vmul.f32 v17, v35;
	v1 =	vadd.f32 v31, v1  }
0x50: {  	v31 =	vadd.f32 v43, v0;
	v23 =	vadd.f32 v23, v0;
	v0 =	vperm.xlane v24, v33  }
0x51: {  	v27 =	vmul.f32 v58, v27;
	v38 =	vmul.f32 v58, v29  }
0x52: {  	v35 =	vperm.xlane v37, v50;
	v21 =	vadd.f32 v47, v21;
	[tilespmem:$0x1FE10] =	vst v0;
	v0 =	vperm.xlane v24, v44  }
0x53: {  	v47 =	vperm.xlane v37, v51;
	v28 =	vadd.f32 v28, v31;
	v31 =	vmul.f32 v29, v57  }
0x54: {  	v32 =	vadd.f32 v46, v23;
	v27 =	vadd.f32 v27, v1;
	[tilespmem:$0x1FE20] =	vst v0;
	v0 =	vperm.xlane v24, v50  }
0x55: {  	v28 =	vadd.f32 v31, v28;
	v31 =	vmul.f32 v20, v54;
	v20 =	vmul.f32 v53, v20  }
0x56: {  	v23 =	vimm.s32 $0xB;
	v46 =	vperm.xlane v24, v51;
	[tilespmem:$0x1FE30] =	vst v0;
	v0 =	vperm.xlane v24, v45  }
0x57: {  	v32 =	vadd.f32 v38, v32;
	v63 =	vadd.f32 v20, v27;
	v20 =	vmul.f32 v53, v22  }
0x58: {  	[tilespmem:$0x1FE40] =	vst v0;
	v0 =	vperm.xlane v24, v23;
	v24 =	vmul.f32 v22, v54  }
0x59: {  	v22 =	vperm.xlane v37, v61;
	v1 =	vadd.f32 v20, v32;
	v20 =	vmul.f32 v36, v17  }
0x5a: {  	v32 =	vperm.xlane v37, v41;
	v41 =	vmul.f32 v30, v57  }
0x5b: {  	[tilespmem:$0x1FE50] =	vst v0;
	v0 =	vadd.f32 v31, v21;
	v21 =	vperm.xlane v37, v59;
	v29 =	vadd.f32 v24, v28  }
0x5c: {  	v24 =	vmul.f32 v36, v6;
	[tilespmem:$0x1FE70] =	vst v1;
	v31 =	vmul.f32 v22, v26;
	v1 =	vimm.s32 $0x7  }
0x5d: {  	v43 =	vperm.xlane v37, v1;
	v1 =	vperm.xlane v37, v45  }
0x5e: {  	[tilespmem:$0x1FE60] =	vst v0;
	v27 =	vmul.f32 v21, v25;
	v21 =	vmul.f32 v21, v26  }
0x5f: {  	v28 =	vmul.f32 v22, v25;
	v0 =	vimm.f32 $0.0e+00;
	[tilespmem:$0x1FE80] =	vst v1;
	v1 =	vperm.xlane v37, v23  }
0x60: {  	v36 =	vperm.xlane v37, v44;
	v31 =	vadd.f32 v31, v0;
	v21 =	vadd.f32 v21, v0  }
0x61: {  	v22 =	vadd.f32 v27, v0;
	v27 =	vperm.xlane v37, v62;
	[tilespmem:$0x1FE90] =	vst v1;
	v1 =	vmul.f32 v4, v53  }
0x62: {  	v20 =	vadd.f32 v20, v21;
	v21 =	vadd.f32 v28, v0;
	v28 =	vmul.f32 v12, v6  }
0x63: {  	v37 =	vmul.f32 v8, v54;
	v48 =	vadd.f32 v24, v22;
	v12 =	vmul.f32 v12, v17  }
0x64: {  	[tilespmem:$0x1FEA0] =	vst v1;
	v1 =	vmul.f32 v13, v53;
	v21 =	vadd.f32 v28, v21;
	v28 =	vmul.f32 v11, v54  }
0x65: {  	v12 =	vadd.f32 v12, v31;
	v31 =	vmul.f32 v11, v53;
	v11 =	vmul.f32 v30, v58  }
0x66: {  	v30 =	vadd.f32 v41, v48;
	v41 =	vmul.f32 v8, v53;
	v8 =	vmul.f32 v2, v58;
	_ =	sdelay $0x1  }
0x67: {  	[tilespmem:$0x1FEB0] =	vst v1;
	v1 =	vmul.f32 v18, v54;
	v38 =	vadd.f32 v8, v12;
	_ =	sdelay $0x1  }
0x68: {  	[tilespmem:$0x1FEC0] =	vst v1;
	v1 =	vadd.f32 v41, v38;
	_ =	sdelay $0x1  }
0x69: {  	v33 =	vmul.f32 v5, v54;
	[tilespmem:$0x1FED0] =	vst v1;
	v1 =	vmul.f32 v18, v53  }
0x6a: {  	[tilespmem:$0x1FE00] =	vst v19;
	v44 =	vmul.f32 v2, v57;
	v19 =	vmul.f32 v27, v25;
	v2 =	vld [tilespmem:$0x1FF10]  }
0x6b: {  	v45 =	vmul.f32 v9, v58;
	[tilespmem:$0x1FEE0] =	vst v1;
	v1 =	vmul.f32 v15, v54  }
0x6c: {  	v24 =	vimm.f32 $0.0e+00;
	v48 =	vmul.f32 v5, v53;
	v19 =	vadd.f32 v19, v0  }
0x6d: {  	v5 =	vimm.f32 $0.0e+00;
	v20 =	vadd.f32 v11, v20;
	[tilespmem:$0x1FEF0] =	vst v1;
	v1 =	vmul.f32 v15, v53  }
0x6e: {  	v21 =	vadd.f32 v44, v21;
	v11 =	vmul.f32 v7, v54;
	v12 =	vmul.f32 v7, v53  }
0x6f: {  	v44 =	vadd.f32 v31, v20;
	v20 =	vmul.f32 v39, v6;
	[tilespmem:$0x1FF00] =	vst v1;
	v1 =	vmul.f32 v2, v54  }
0x70: {  	v34 =	vadd.f32 v28, v30;
	v8 =	vmul.f32 v4, v54;
	v18 =	vmul.f32 v27, v26  }
0x71: {  	v7 =	vmul.f32 v13, v54;
	v19 =	vadd.f32 v20, v19;
	[tilespmem:$0x1FF20] =	vst v1;
	v1 =	vmul.f32 v2, v53  }
0x72: {  	v20 =	vmul.f32 v32, v25;
	v18 =	vadd.f32 v18, v0;
	v15 =	vmul.f32 v39, v17  }
0x73: {  	v28 =	vmul.f32 v10, v58;
	v30 =	vadd.f32 v37, v21;
	v2 =	vmul.f32 v32, v26;
	[tilespmem:$0x1FF30] =	vst v1;
	v1 =	vld [tilespmem:$0x1FF40]  }
0x74: {  	v21 =	vmul.f32 v40, v6;
	v15 =	vadd.f32 v15, v18;
	v18 =	vadd.f32 v20, v0  }
0x75: {  	v13 =	vmul.f32 v14, v57;
	v27 =	vmul.f32 v40, v17;
	v2 =	vadd.f32 v2, v0  }
0x76: {  	v14 =	vmul.f32 v14, v58;
	v20 =	vmul.f32 v16, v57;
	v18 =	vadd.f32 v21, v18  }
0x77: {  	v21 =	vmul.f32 v9, v57;
	v2 =	vadd.f32 v27, v2;
	v27 =	vmul.f32 v10, v57  }
0x78: {  	v4 =	vimm.f32 $0.0e+00;
	v9 =	vmul.f32 v1, v57;
	v10 =	vmul.f32 v1, v58;
	v1 =	vld [tilespmem:$0x1FF50]  }
0x79: {  	v31 =	vmul.f32 v3, v57;
	v41 =	vimm.f32 $0.0e+00;
	v16 =	vmul.f32 v16, v58  }
0x7a: {  	v40 =	vmul.f32 v47, v26;
	v39 =	vimm.f32 $0.0e+00;
	v19 =	vadd.f32 v20, v19  }
0x7b: {  	v32 =	vmul.f32 v3, v58;
	v20 =	vadd.f32 v16, v15;
	v16 =	vadd.f32 v21, v18  }
0x7c: {  	v15 =	vmul.f32 v46, v17;
	v37 =	vadd.f32 v33, v19;
	v38 =	vadd.f32 v45, v2  }
0x7d: {  	v22 =	vmul.f32 v1, v57;
	v45 =	vmul.f32 v1, v58;
	v1 =	vimm.f32 $0.0e+00  }
0x7e: {  	v48 =	vadd.f32 v48, v20;
	v33 =	vmul.f32 v47, v25;
	[tilespmem:$0x1FF60] =	vst v1;
	v1 =	vimm.f32 $0.0e+00  }
0x7f: {  	v18 =	vimm.f32 $0.0e+00;
	v47 =	vimm.f32 $0.0e+00;
	[tilespmem:$0x1FF70] =	vst v1;
	v1 =	vimm.f32 $0.0e+00  }
0x80: {  	p1 =	por p2, p2;
	s18 =	simm.s32 $0x1;
	v20 =	vimm.f32 $0.0e+00;
	v2 =	vmul.f32 v46, v6;
	v46 =	vmul.f32 v43, v25;
	[tilespmem:$0x1FF80] =	vst v1  }
.LBB2_3:
0x81: {  	v1 =	vadd.f32 v11, v16;
	v11 =	vadd.f32 v33, v0;
	v0 =	vld [tilespmem:$0x1FE10];
	_ =	sdelay $0x4  }
0x82: {  	v16 =	vmul.f32 v0, v6;
	v21 =	vmul.f32 v0, v17;
	v0 =	vld [tilespmem:$0x1FE20]  }
0x83: {  	v2 =	vadd.f32 v2, v11  }
0x84: {  	[tilespmem:$0x1FC00] =	vst v1;
	v1 =	vadd.f32 v12, v38;
	v12 =	vadd.f32 v40, v4  }
0x85: {  	v2 =	vadd.f32 v27, v2  }
0x86: {  	v11 =	vadd.f32 v15, v12  }
0x87: {  	v12 =	vmul.f32 v0, v6;
	v23 =	vmul.f32 v0, v17;
	v0 =	vadd.f32 v8, v2;
	_ =	sdelay $0x1  }
0x88: {  	[tilespmem:$0x1FC70] =	vst v0;
	v0 =	vld [tilespmem:$0x1FEA0]  }
0x89: {  	v19 =	vadd.f32 v46, v5;
	_ =	sdelay $0x1  }
0x8a: {  	v11 =	vadd.f32 v28, v11;
	v15 =	vadd.f32 v16, v19;
	_ =	sdelay $0x1  }
0x8b: {  	v15 =	vadd.f32 v31, v15;
	v0 =	vadd.f32 v0, v11  }
0x8c: {  	v43 =	vmul.f32 v43, v26  }
0x8d: {  	[tilespmem:$0x1FCA0] =	vst v0;
	v0 =	vadd.f32 v7, v15  }
0x8e: {  	v18 =	vadd.f32 v43, v18  }
0x8f: {  	[tilespmem:$0x1FC60] =	vst v0;
	v0 =	vld [tilespmem:$0x1FEB0]  }
0x90: {  	v16 =	vadd.f32 v21, v18;
	_ =	sdelay $0x1  }
0x91: {  	v16 =	vadd.f32 v32, v16;
	_ =	sdelay $0x1  }
0x92: {  	v0 =	vadd.f32 v0, v16;
	_ =	sdelay $0x1  }
0x93: {  	[tilespmem:$0x1FC40] =	vst v0;
	v0 =	vld [tilespmem:$0x1FF60];
	_ =	sdelay $0x2  }
0x94: {  	[tilespmem:$0x1FB30] =	vst v29;
	v29 =	vmul.f32 v36, v25;
	_ =	sdelay $0x1  }
0x95: {  	v4 =	vadd.f32 v29, v0  }
0x96: {  	v11 =	vld [tilespmem:$0x1FEC0]  }
0x97: {  	v0 =	vld [tilespmem:$0x1FF70];
	v4 =	vadd.f32 v12, v4;
	_ =	sdelay $0x1  }
0x98: {  	v4 =	vadd.f32 v9, v4  }
0x99: {  	v27 =	vmul.f32 v36, v26  }
0x9a: {  	v4 =	vadd.f32 v11, v4  }
0x9b: {  	v3 =	vld [tilespmem:$0x1FF80];
	v0 =	vadd.f32 v27, v0  }
0x9c: {  	[tilespmem:$0x1FF60] =	vst v4;
	v4 =	vld [tilespmem:$0x1FEE0]  }
0x9d: {  	[tilespmem:$0x1FC10] =	vst v1;
	v1 =	vld [tilespmem:$0x1FE30];
	v0 =	vadd.f32 v23, v0;
	_ =	sdelay $0x1  }
0x9e: {  	v0 =	vadd.f32 v10, v0  }
0x9f: {  	v28 =	vmul.f32 v35, v25  }
0xa0: {  	v0 =	vadd.f32 v4, v0  }
0xa1: {  	v5 =	vmul.f32 v1, v6;
	v3 =	vadd.f32 v28, v3  }
0xa2: {  	[tilespmem:$0x1FF70] =	vst v0;
	v0 =	vld [tilespmem:$0x1FEF0]  }
0xa3: {  	v3 =	vadd.f32 v5, v3;
	_ =	sdelay $0x1  }
0xa4: {  	v3 =	vadd.f32 v13, v3  }
0xa5: {  	v2 =	vmul.f32 v35, v26  }
0xa6: {  	v0 =	vadd.f32 v0, v3  }
0xa7: {  	v1 =	vmul.f32 v1, v17;
	v8 =	vld [tilespmem:$0x1FE40];
	v2 =	vadd.f32 v2, v47  }
0xa8: {  	[tilespmem:$0x1FF80] =	vst v0;
	v0 =	vld [tilespmem:$0x1FF00]  }
0xa9: {  	v1 =	vadd.f32 v1, v2;
	_ =	sdelay $0x1  }
0xaa: {  	v1 =	vadd.f32 v14, v1  }
0xab: {  	v2 =	vmul.f32 v8, v17;
	v7 =	vmul.f32 v8, v6;
	v8 =	vld [tilespmem:$0x1FE80]  }
0xac: {  	v10 =	vld [tilespmem:$0x1FE90];
	v0 =	vadd.f32 v0, v1;
	_ =	sdelay $0x1  }
0xad: {  	[tilespmem:$0x1FB90] =	vst v0;
	v0 =	vld [tilespmem:$0x1FE50];
	_ =	sdelay $0x1  }
0xae: {  	v5 =	vmul.f32 v8, v25;
	v8 =	vmul.f32 v8, v26  }
0xaf: {  	v9 =	vmul.f32 v10, v25  }
0xb0: {  	v1 =	vadd.f32 v5, v20;
	v5 =	vadd.f32 v8, v41  }
0xb1: {  	v8 =	vadd.f32 v9, v24;
	v6 =	vmul.f32 v0, v6;
	v9 =	vmul.f32 v0, v17;
	v0 =	vld [tilespmem:$0x1FD00];
	_ =	sdelay $0x3  }
0xb2: {  	v1 =	vadd.f32 v7, v1  }
0xb3: {  	v2 =	vadd.f32 v2, v5;
	v5 =	vmul.f32 v0, v57;
	v7 =	vmul.f32 v0, v58;
	v0 =	vld [tilespmem:$0x1FCF0];
	_ =	sdelay $0x2  }
0xb4: {  	v6 =	vadd.f32 v6, v8;
	_ =	sdelay $0x1  }
0xb5: {  	v5 =	vadd.f32 v5, v6;
	v8 =	vmul.f32 v0, v54;
	v6 =	vmul.f32 v0, v53;
	v0 =	vld [tilespmem:$0x1FF20];
	_ =	sdelay $0x2  }
0xb6: {  	v1 =	vadd.f32 v22, v1;
	_ =	sdelay $0x1  }
0xb7: {  	v0 =	vadd.f32 v0, v1;
	_ =	sdelay $0x1  }
0xb8: {  	[tilespmem:$0x1FC50] =	vst v0;
	v0 =	vld [tilespmem:$0x1FF30]  }
0xb9: {  	v4 =	vmul.f32 v10, v26;
	_ =	sdelay $0x1  }
0xba: {  	v4 =	vadd.f32 v4, v39;
	v2 =	vadd.f32 v45, v2;
	_ =	sdelay $0x1  }
0xbb: {  	v4 =	vadd.f32 v9, v4;
	v0 =	vadd.f32 v0, v2;
	_ =	sdelay $0x1  }
0xbc: {  	v4 =	vadd.f32 v7, v4;
	v7 =	vmov s18;
	[tilespmem:$0x1FB50] =	vst v0;
	v0 =	vadd.f32 v8, v5  }
0xbd: {  	v1 =	vshll.u32 v7, $0x6  }
0xbe: {  	v2 =	vor.u32 v60, v1;
	[tilespmem:$0x1FC20] =	vst v0;
	v0 =	vadd.f32 v6, v4  }
0xbf: {  	v6 =	vor.u32 v52, v1  }
0xc0: {  	[tilespmem:$0x1FB40] =	vst v0;
	v0 =	vld [tilespmem:$0x1FCB0];
	_ =	sdelay $0x2  }
0xc1: {  	v2 =	vld.idx.msk [tilespmem:v2+s9+$0x0], $0xffff  }
0xc2: {  	v5 =	vshll.u32 v7, $0x9;
	v4 =	vor.u32 v56, v1;
	v1 =	vor.u32 v42, v1;
	v6 =	vld.idx.msk [tilespmem:v6+s9+$0x0], $0xffff  }
0xc3: {  	v7 =	vadd.s32 v5, v0;
	v0 =	vld [tilespmem:$0x1FCC0];
	_ =	sdelay $0x3  }
0xc4: {  	v24 =	vimm.s32 $0x7;
	v22 =	vld.idx.msk [tilespmem:v1+s9+$0x0], $0xffff;
	v8 =	vperm.xlane v2, v49;
	v1 =	vperm.xlane v6, v51  }
0xc5: {  	v11 =	vperm.xlane v2, v55;
	v12 =	vperm.xlane v2, v59;
	v9 =	vor.u32 v0, v5;
	v0 =	vld [tilespmem:$0x1FCD0]  }
0xc6: {  	v29 =	vimm.s32 $0x5;
	v4 =	vld.idx.msk [tilespmem:v4+s9+$0x0], $0xffff;
	v13 =	vperm.xlane v2, v61;
	[tilespmem:$0x1FC30] =	vst v1;
	v1 =	vperm.xlane v6, v24  }
0xc7: {  	v35 =	vimm.s32 $0x8;
	v17 =	vperm.xlane v2, v62;
	v25 =	vperm.xlane v2, v29  }
0xc8: {  	v26 =	vperm.xlane v2, v51;
	[tilespmem:$0x1FE10] =	vst v1;
	v1 =	vperm.xlane v6, v35  }
0xc9: {  	[tilespmem:$0x1FB80] =	vst v30;
	v53 =	vimm.s32 $0xA;
	v27 =	vperm.xlane v2, v24;
	v28 =	vperm.xlane v2, v35  }
0xca: {  	v30 =	vperm.xlane v2, v50;
	[tilespmem:$0x1FE20] =	vst v1;
	v1 =	vperm.xlane v6, v50;
	v10 =	vor.u32 v0, v5;
	v0 =	vld [tilespmem:$0x1FCE0]  }
0xcb: {  	[tilespmem:$0x1FB70] =	vst v44;
	v31 =	vperm.xlane v2, v53;
	v44 =	vperm.xlane v4, v49  }
0xcc: {  	v3 =	vperm.xlane v4, v55;
	[tilespmem:$0x1FE30] =	vst v1;
	v1 =	vperm.xlane v6, v53  }
0xcd: {  	v23 =	vimm.s32 $0xB;
	v20 =	vperm.xlane v4, v61;
	v18 =	vperm.xlane v4, v62  }
0xce: {  	v19 =	vperm.xlane v4, v29;
	[tilespmem:$0x1FE40] =	vst v1;
	v1 =	vperm.xlane v6, v23  }
0xcf: {  	v32 =	vld.idx.msk [tilespmem:v9+s3+$0x0], $0xffff;
	v5 =	vadd.s32 v5, v0;
	v0 =	vperm.xlane v2, v23;
	v2 =	vperm.xlane v4, v23  }
0xd0: {  	v21 =	vperm.xlane v4, v51;
	v14 =	vperm.xlane v4, v50;
	[tilespmem:$0x1FE50] =	vst v1;
	v1 =	vld [tilespmem:$0x1FD50]  }
0xd1: {  	v45 =	vperm.xlane v4, v53;
	v60 =	vperm.xlane v6, v49;
	[tilespmem:$0x1FD00] =	vst v2;
	v2 =	vld [tilespmem:$0x1FD10]  }
0xd2: {  	v33 =	vperm.xlane v6, v55;
	v52 =	vperm.xlane v6, v59  }
0xd3: {  	v47 =	vperm.xlane v6, v61;
	v40 =	vperm.xlane v6, v62;
	v7 =	vld.idx.msk [tilespmem:v7+s3+$0x0], $0xffff  }
0xd4: {  	[tilespmem:$0x1FB60] =	vst v34;
	v46 =	vperm.xlane v6, v29;
	v9 =	vperm.xlane v4, v24;
	v34 =	vld.idx.msk [tilespmem:v10+s3+$0x0], $0xffff  }
0xd5: {  	v10 =	vperm.xlane v4, v35;
	v6 =	vmul.f32 v1, v32;
	v1 =	vld [tilespmem:$0x1FD60]  }
0xd6: {  	[tilespmem:$0x1FCF0] =	vst v0;
	v0 =	vperm.xlane v4, v59;
	v4 =	vmul.f32 v2, v32;
	v2 =	vld [tilespmem:$0x1FD20];
	_ =	sdelay $0x3  }
0xd7: {  	v42 =	vmul.f32 v1, v7;
	v1 =	vld [tilespmem:$0x1FD70]  }
0xd8: {  	[tilespmem:$0x1FBE0] =	vst v37;
	v37 =	vmul.f32 v2, v7;
	v2 =	vld [tilespmem:$0x1FD30];
	_ =	sdelay $0x1  }
0xd9: {  	v5 =	vld.idx.msk [tilespmem:v5+s3+$0x0], $0xffff  }
0xda: {  	v15 =	vmov v56;
	v56 =	vperm.xlane v22, v49;
	v54 =	vadd.f32 v37, v4;
	v4 =	vld [tilespmem:$0x1FDA0]  }
0xdb: {  	v49 =	vperm.xlane v22, v62;
	v58 =	vmul.f32 v1, v34;
	v1 =	vld [tilespmem:$0x1FDC0]  }
0xdc: {  	[tilespmem:$0x1FBF0] =	vst v48;
	v48 =	vperm.xlane v22, v29;
	v39 =	vmul.f32 v2, v34;
	v2 =	vld [tilespmem:$0x1FD40]  }
0xdd: {  	v38 =	vperm.xlane v22, v51;
	v43 =	vperm.xlane v22, v24  }
0xde: {  	v36 =	vperm.xlane v22, v35;
	v24 =	vperm.xlane v22, v53  }
0xdf: {  	v35 =	vperm.xlane v22, v50;
	v37 =	vmul.f32 v4, v34  }
0xe0: {  	v16 =	vmov v63;
	v63 =	vmul.f32 v1, v5;
	v1 =	vperm.xlane v22, v55  }
0xe1: {  	[tilespmem:$0x1FE80] =	vst v24;
	v24 =	vld [tilespmem:$0x1FE00];
	v55 =	vperm.xlane v22, v61;
	v41 =	vmul.f32 v2, v5  }
0xe2: {  	v4 =	vld [tilespmem:$0x1FDB0];
	v2 =	vperm.xlane v22, v59;
	v22 =	vperm.xlane v22, v23;
	_ =	sdelay $0x1  }
0xe3: {  	[tilespmem:$0x1FE90] =	vst v22;
	v22 =	vld [tilespmem:$0x1FDD0];
	_ =	sdelay $0x1  }
0xe4: {  	v24 =	vmul.f32 v24, v5  }
0xe5: {  	v53 =	vadd.f32 v41, v39;
	v39 =	vmul.f32 v4, v5;
	v5 =	vmul.f32 v12, v54  }
0xe6: {  	v29 =	vld [tilespmem:$0x1FD90]  }
0xe7: {  	[tilespmem:$0x1FBA0] =	vst v5;
	v5 =	vmul.f32 v12, v53;
	v50 =	vmul.f32 v22, v32;
	v22 =	vld [tilespmem:$0x1FDE0];
	_ =	sdelay $0x1  }
0xe8: {  	[tilespmem:$0x1FBB0] =	vst v5;
	v5 =	vmul.f32 v13, v54;
	_ =	sdelay $0x1  }
0xe9: {  	v23 =	vld [tilespmem:$0x1FD80];
	[tilespmem:$0x1FBC0] =	vst v5;
	v5 =	vmul.f32 v13, v53  }
0xea: {  	v29 =	vmul.f32 v29, v7;
	v51 =	vmul.f32 v22, v7;
	v22 =	vld [tilespmem:$0x1FDF0]  }
0xeb: {  	v41 =	vmul.f32 v8, v54;
	[tilespmem:$0x1FBD0] =	vst v5;
	v5 =	vmul.f32 v17, v54  }
0xec: {  	v4 =	vmul.f32 v11, v54;
	v59 =	vmul.f32 v53, v8  }
0xed: {  	v12 =	vmul.f32 v25, v53;
	[tilespmem:$0x1FC80] =	vst v5;
	v5 =	vmul.f32 v17, v53  }
0xee: {  	v8 =	vmul.f32 v26, v54;
	v23 =	vmul.f32 v23, v32  }
0xef: {  	[tilespmem:$0x1FC90] =	vst v5;
	v5 =	vmul.f32 v26, v53;
	v26 =	vadd.f32 v39, v37;
	v22 =	vmul.f32 v22, v34  }
0xf0: {  	v34 =	vmul.f32 v53, v11;
	v11 =	vmul.f32 v25, v54;
	v25 =	vadd.f32 v29, v23;
	_ =	sdelay $0x1  }
0xf1: {  	v29 =	vmul.f32 v26, v56;
	v17 =	vadd.f32 v24, v22;
	v24 =	vmul.f32 v56, v25;
	v56 =	vmovc v15;
	v15 =	vld [tilespmem:$0x1FE60];
	_ =	sdelay $0x4  }
0xf2: {  	v24 =	vadd.f32 v24, v15;
	v15 =	vld [tilespmem:$0x1FB30]  }
0xf3: {  	[tilespmem:$0x1FEA0] =	vst v5;
	v5 =	vmul.f32 v27, v53;
	_ =	sdelay $0x1  }
0xf4: {  	v57 =	vadd.f32 v42, v6;
	[tilespmem:$0x1FEB0] =	vst v5;
	v5 =	vmul.f32 v28, v54;
	v37 =	vmul.f32 v1, v25  }
0xf5: {  	v58 =	vadd.f32 v63, v58;
	v7 =	vmul.f32 v27, v54;
	v6 =	vadd.f32 v51, v50  }
0xf6: {  	v27 =	vmul.f32 v21, v57;
	[tilespmem:$0x1FEC0] =	vst v5;
	v5 =	vmul.f32 v28, v53;
	v37 =	vadd.f32 v37, v15;
	v15 =	vld [tilespmem:$0x1FE70]  }
0xf7: {  	v28 =	vmul.f32 v21, v58;
	v21 =	vmul.f32 v60, v6;
	_ =	sdelay $0x1  }
0xf8: {  	v63 =	vmul.f32 v44, v57;
	v1 =	vmul.f32 v26, v1;
	v21 =	vadd.f32 v21, v24  }
0xf9: {  	v39 =	vmul.f32 v33, v6  }
0xfa: {  	v33 =	vmul.f32 v17, v33;
	v21 =	vadd.f32 v63, v21;
	v1 =	vadd.f32 v1, v15  }
0xfb: {  	v42 =	vmul.f32 v3, v57  }
0xfc: {  	v3 =	vmul.f32 v58, v3;
	v15 =	vadd.f32 v41, v21;
	v1 =	vadd.f32 v33, v1;
	_ =	sdelay $0x1  }
0xfd: {  	[tilespmem:$0x1FE60] =	vst v15;
	v15 =	vld [tilespmem:$0x1FB80];
	v1 =	vadd.f32 v3, v1;
	_ =	sdelay $0x1  }
0xfe: {  	v29 =	vadd.f32 v29, v16;
	v23 =	vmul.f32 v17, v60;
	v1 =	vadd.f32 v34, v1  }
0xff: {  	v3 =	vmul.f32 v55, v25  }
0x100: {  	v23 =	vadd.f32 v23, v29;
	[tilespmem:$0x1FE70] =	vst v1;
	v1 =	vld [tilespmem:$0x1FB60]  }
0x101: {  	v29 =	vadd.f32 v39, v37;
	v3 =	vadd.f32 v3, v15;
	v15 =	vld [tilespmem:$0x1FED0];
	_ =	sdelay $0x1  }
0x102: {  	v37 =	vmul.f32 v2, v25;
	v29 =	vadd.f32 v42, v29  }
0x103: {  	[tilespmem:$0x1FEE0] =	vst v5;
	v5 =	vmul.f32 v30, v54;
	v21 =	vmul.f32 v55, v26  }
0x104: {  	v24 =	vmul.f32 v52, v6;
	v29 =	vadd.f32 v4, v29;
	v4 =	vld [tilespmem:$0x1FB70];
	v1 =	vadd.f32 v37, v1  }
0x105: {  	[tilespmem:$0x1FEF0] =	vst v5;
	v5 =	vmul.f32 v30, v53;
	v21 =	vadd.f32 v21, v15;
	v15 =	vld [tilespmem:$0x1FBA0]  }
0x106: {  	v30 =	vmul.f32 v58, v44;
	v44 =	vmul.f32 v0, v57;
	v1 =	vadd.f32 v24, v1  }
0x107: {  	v2 =	vmul.f32 v2, v26  }
0x108: {  	v1 =	vadd.f32 v44, v1  }
0x109: {  	v33 =	vmul.f32 v52, v17;
	v2 =	vadd.f32 v2, v4  }
0x10a: {  	v34 =	vadd.f32 v15, v1;
	v1 =	vld [tilespmem:$0x1FBB0]  }
0x10b: {  	v0 =	vmul.f32 v0, v58;
	v2 =	vadd.f32 v33, v2;
	_ =	sdelay $0x1  }
0x10c: {  	v0 =	vadd.f32 v0, v2  }
0x10d: {  	v4 =	vmul.f32 v47, v6  }
0x10e: {  	v44 =	vadd.f32 v1, v0;
	v1 =	vld [tilespmem:$0x1FBC0]  }
0x10f: {  	v61 =	vmul.f32 v20, v57;
	v3 =	vadd.f32 v4, v3  }
0x110: {  	v23 =	vadd.f32 v30, v23  }
0x111: {  	v3 =	vadd.f32 v61, v3  }
0x112: {  	v63 =	vadd.f32 v59, v23;
	v23 =	vmul.f32 v47, v17  }
0x113: {  	v30 =	vadd.f32 v1, v3;
	v1 =	vld [tilespmem:$0x1FBD0]  }
0x114: {  	v20 =	vmul.f32 v20, v58;
	v4 =	vadd.f32 v23, v21;
	_ =	sdelay $0x1  }
0x115: {  	v4 =	vadd.f32 v20, v4  }
0x116: {  	v3 =	vld [tilespmem:$0x1FBF0]  }
0x117: {  	v1 =	vadd.f32 v1, v4;
	v4 =	vld [tilespmem:$0x1FC00];
	_ =	sdelay $0x1  }
0x118: {  	[tilespmem:$0x1FF00] =	vst v5;
	v5 =	vmul.f32 v31, v54;
	v15 =	vld [tilespmem:$0x1FC10]  }
0x119: {  	v2 =	vmul.f32 v49, v26;
	v20 =	vmul.f32 v48, v25;
	[tilespmem:$0x1FED0] =	vst v1;
	v1 =	vld [tilespmem:$0x1FBE0]  }
0x11a: {  	[tilespmem:$0x1FF20] =	vst v5;
	v5 =	vmul.f32 v31, v53;
	v0 =	vmul.f32 v48, v26  }
0x11b: {  	v60 =	vld [tilespmem:$0x1FFF0];
	v2 =	vadd.f32 v2, v3;
	v3 =	vmul.f32 v46, v6;
	v4 =	vadd.f32 v20, v4  }
0x11c: {  	v16 =	vmul.f32 v46, v17;
	v39 =	vld [tilespmem:$0x1FB40];
	v23 =	vmul.f32 v49, v25  }
0x11d: {  	[tilespmem:$0x1FF30] =	vst v5;
	v5 =	vmul.f32 v19, v57;
	v42 =	vld [tilespmem:$0x1FFD0];
	v0 =	vadd.f32 v0, v15;
	v3 =	vadd.f32 v3, v4  }
0x11e: {  	v62 =	vmul.f32 v18, v57;
	v41 =	vld [tilespmem:$0x1FB50];
	v24 =	vmul.f32 v40, v6;
	v1 =	vadd.f32 v23, v1  }
0x11f: {  	v18 =	vmul.f32 v18, v58;
	v0 =	vadd.f32 v16, v0;
	v16 =	vadd.f32 v5, v3;
	v3 =	vld [tilespmem:$0x1FC80]  }
0x120: {  	v32 =	vmul.f32 v9, v58;
	v13 =	vmul.f32 v14, v57;
	v52 =	vld [tilespmem:$0x1FFE0];
	v1 =	vadd.f32 v24, v1  }
0x121: {  	v19 =	vmul.f32 v19, v58;
	v47 =	vld [tilespmem:$0x1FB90];
	v21 =	vmul.f32 v40, v17  }
0x122: {  	v14 =	vmul.f32 v14, v58;
	v33 =	vmul.f32 v38, v25;
	v15 =	vld [tilespmem:$0x1FC30];
	v1 =	vadd.f32 v62, v1  }
0x123: {  	v40 =	vmul.f32 v38, v26;
	v38 =	vadd.f32 v19, v0;
	v0 =	vld [tilespmem:$0x1FC70];
	v20 =	vadd.f32 v21, v2  }
0x124: {  	p2 =	sne.s32 s18, $0xB;
	v51 =	vimm.s32 $0x6;
	v22 =	vmul.f32 v45, v57;
	v37 =	vadd.f32 v3, v1;
	v1 =	vld [tilespmem:$0x1FC90]  }
.Ltmp0:
0x125: {  	v45 =	vmul.f32 v45, v58;
	v31 =	vmul.f32 v9, v57;
	v4 =	vadd.f32 v18, v20;
	v18 =	vld [tilespmem:$0x1FC40];
	(pc) =	sbr.rel @p2 .LBB2_3-.Ltmp0, $4  }
0x126: {  	v50 =	vimm.s32 $0x9;
	v9 =	vmul.f32 v10, v57;
	v10 =	vmul.f32 v10, v58;
	v20 =	vld [tilespmem:$0x1FC50]  }
0x127: {  	v59 =	vimm.s32 $0x2;
	v55 =	vimm.s32 $0x1;
	v61 =	vimm.s32 $0x3;
	v24 =	vld [tilespmem:$0x1FC20]  }
0x128: {  	v49 =	vimm.s32 $0x0;
	v46 =	vmul.f32 v43, v25;
	v2 =	vmul.f32 v15, v6;
	v5 =	vld [tilespmem:$0x1FC60]  }
0x129: {  	s18 =	sadd.s32 $0x1, s18;
	v15 =	vmul.f32 v15, v17;
	v62 =	vimm.s32 $0x4;
	v48 =	vadd.f32 v1, v4;
	v4 =	vld [tilespmem:$0x1FCA0]  }
0x12a: {  	v1 =	vmul.f32 v43, v26;
	v43 =	vld [tilespmem:$0x1FE10];
	_ =	sdelay $0x3  }
0x12b: {  	v0 =	vadd.f32 v33, v0  }
0x12c: {  	v5 =	vadd.f32 v46, v5;
	v46 =	vmul.f32 v43, v6  }
0x12d: {  	v23 =	vld [tilespmem:$0x1FEA0];
	v0 =	vadd.f32 v2, v0;
	v4 =	vadd.f32 v40, v4  }
0x12e: {  	v3 =	vadd.f32 v11, v16;
	v21 =	vmul.f32 v36, v25;
	v33 =	vld [tilespmem:$0x1FF70];
	v5 =	vadd.f32 v46, v5  }
0x12f: {  	v0 =	vadd.f32 v27, v0;
	v27 =	vmul.f32 v36, v26;
	v36 =	vld [tilespmem:$0x1FE20];
	v4 =	vadd.f32 v15, v4  }
0x130: {  	v1 =	vadd.f32 v1, v18;
	v16 =	vmul.f32 v43, v17;
	v19 =	vadd.f32 v31, v5;
	v31 =	vld [tilespmem:$0x1FF60]  }
0x131: {  	v18 =	vadd.f32 v28, v4;
	v28 =	vld [tilespmem:$0x1FEB0]  }
0x132: {  	v43 =	vld [tilespmem:$0x1FF80];
	v1 =	vadd.f32 v16, v1  }
0x133: {  	v11 =	vadd.f32 v12, v38;
	v2 =	vadd.f32 v7, v19;
	v19 =	vld [tilespmem:$0x1FE30]  }
0x134: {  	v8 =	vadd.f32 v8, v0;
	v1 =	vadd.f32 v32, v1;
	v32 =	vmul.f32 v35, v25  }
0x135: {  	v38 =	vmul.f32 v36, v6;
	v7 =	vadd.f32 v27, v33;
	v33 =	vld [tilespmem:$0x1FE80];
	v0 =	vadd.f32 v21, v31  }
0x136: {  	v16 =	vmul.f32 v36, v17;
	v5 =	vadd.f32 v23, v18;
	v23 =	vld [tilespmem:$0x1FEC0];
	v4 =	vadd.f32 v28, v1  }
0x137: {  	v40 =	vmul.f32 v35, v26;
	v1 =	vadd.f32 v32, v43;
	v32 =	vld [tilespmem:$0x1FEE0];
	v0 =	vadd.f32 v38, v0  }
0x138: {  	v27 =	vld [tilespmem:$0x1FE40];
	v7 =	vadd.f32 v16, v7;
	v46 =	vmul.f32 v19, v6  }
0x139: {  	v15 =	vadd.f32 v40, v47;
	v19 =	vmul.f32 v19, v17;
	v38 =	vld [tilespmem:$0x1FE90];
	v0 =	vadd.f32 v9, v0  }
0x13a: {  	v36 =	vld [tilespmem:$0x1FEF0];
	v7 =	vadd.f32 v10, v7;
	v35 =	vmul.f32 v33, v25;
	v1 =	vadd.f32 v46, v1  }
0x13b: {  	v12 =	vadd.f32 v19, v15;
	v15 =	vmul.f32 v33, v26;
	v46 =	vld [tilespmem:$0x1FF00];
	v10 =	vadd.f32 v23, v0  }
0x13c: {  	v0 =	vadd.f32 v32, v7;
	v7 =	vadd.f32 v35, v20;
	v35 =	vld [tilespmem:$0x1FCF0]  }
0x13d: {  	v28 =	vmul.f32 v27, v6;
	v1 =	vadd.f32 v13, v1;
	v47 =	vadd.f32 v15, v41;
	v41 =	vld [tilespmem:$0x1FF90]  }
0x13e: {  	v31 =	vmul.f32 v27, v17;
	v21 =	vadd.f32 v14, v12;
	v40 =	vmul.f32 v38, v25  }
0x13f: {  	v43 =	vmul.f32 v38, v26;
	v14 =	vadd.f32 v36, v1;
	v7 =	vadd.f32 v28, v7;
	v28 =	vld [tilespmem:$0x1FD00]  }
0x140: {  	v9 =	vadd.f32 v31, v47;
	v1 =	vadd.f32 v46, v21;
	v21 =	vld [tilespmem:$0x1FE50]  }
0x141: {  	v25 =	vadd.f32 v40, v24;
	v26 =	vadd.f32 v43, v39;
	v40 =	vld [tilespmem:$0x1FF20]  }
0x142: {  	v43 =	vld [tilespmem:$0x1FF30];
	v39 =	vimm.s32 $0xA;
	v36 =	vmul.f32 v35, v54;
	v13 =	vperm.xlane v41, v49  }
0x143: {  	v7 =	vadd.f32 v22, v7;
	v15 =	vperm.xlane v41, v55;
	v16 =	vperm.xlane v41, v59  }
0x144: {  	v9 =	vadd.f32 v45, v9;
	v45 =	vld [tilespmem:$0x1FE60];
	v22 =	vperm.xlane v41, v61;
	v31 =	vmul.f32 v28, v57  }
0x145: {  	v33 =	vmul.f32 v28, v58;
	v46 =	vadd.f32 v15, v29;
	v23 =	vmul.f32 v21, v6  }
0x146: {  	v57 =	vimm.s32 $0x5;
	v27 =	vmul.f32 v21, v17;
	v17 =	vmul.f32 v35, v53  }
0x147: {  	v7 =	vadd.f32 v40, v7;
	v9 =	vadd.f32 v43, v9;
	v40 =	vlaneseq.u32  }
0x148: {  	s17 =	sshll.u32 s17, $0x5;
	v21 =	vadd.f32 v16, v34;
	v53 =	vadd.f32 v22, v30;
	v30 =	vperm.xlane v41, v57  }
0x149: {  	v43 =	vimm.s32 $0x7;
	v18 =	vadd.f32 v13, v45;
	v47 =	vor.u32 s17, v40  }
0x14a: {  	v19 =	vmax.f32 v46, $0.0e+00;
	v20 =	vor.u32 $0x40, v40;
	v24 =	vor.u32 $0x80, v40  }
0x14b: {  	v28 =	vor.u32 $0xC0, v40;
	v34 =	vor.u32 $0x140, v40;
	v35 =	vperm.xlane v41, v43  }
0x14c: {  	v6 =	vadd.f32 v23, v25;
	v32 =	vadd.f32 v27, v26;
	v23 =	vor.u32 s17, v20  }
0x14d: {  	v25 =	vperm.xlane v41, v62;
	v21 =	vmax.f32 v21, $0.0e+00;
	v26 =	vor.u32 s17, v24  }
0x14e: {  	v27 =	vmax.f32 v53, $0.0e+00;
	v58 =	vor.u32 s17, v28;
	v3 =	vadd.f32 v30, v3  }
0x14f: {  	v46 =	vor.u32 s17, v34;
	v53 =	vimm.s32 $0x8;
	v38 =	vadd.f32 v33, v32  }
0x150: {  	v2 =	vadd.f32 v35, v2;
	v6 =	vadd.f32 v31, v6;
	v33 =	vor.u32 $0x100, v40  }
0x151: {  	v45 =	vor.u32 s17, v33;
	v12 =	vadd.f32 v17, v38;
	v17 =	vmax.f32 v18, $0.0e+00  }
0x152: {  	v54 =	vadd.f32 v25, v37;
	v32 =	vperm.xlane v41, v51;
	[tilespmem:v47+s12+$0x0] =	vst.idx.msk $0xffff, v17;
	v17 =	vor.u32 $0x180, v40  }
0x153: {  	v3 =	vmax.f32 v3, $0.0e+00;
	[tilespmem:v23+s12+$0x0] =	vst.idx.msk $0xffff, v19;
	v47 =	vor.u32 s17, v17;
	v19 =	vor.u32 $0x1C0, v40  }
0x154: {  	v29 =	vmax.f32 v54, $0.0e+00;
	[tilespmem:v26+s12+$0x0] =	vst.idx.msk $0xffff, v21;
	v54 =	vor.u32 s17, v19;
	v26 =	vor.u32 $0x200, v40  }
0x155: {  	v8 =	vadd.f32 v32, v8;
	v23 =	vperm.xlane v41, v53;
	[tilespmem:v58+s12+$0x0] =	vst.idx.msk $0xffff, v27;
	v57 =	vor.u32 s17, v26  }
0x156: {  	v31 =	vor.u32 $0x240, v40;
	v2 =	vmax.f32 v2, $0.0e+00;
	v38 =	vor.u32 $0x280, v40;
	[tilespmem:v45+s12+$0x0] =	vst.idx.msk $0xffff, v29  }
0x157: {  	v37 =	vor.u32 s17, v38;
	v8 =	vmax.f32 v8, $0.0e+00;
	v10 =	vadd.f32 v23, v10;
	[tilespmem:v46+s12+$0x0] =	vst.idx.msk $0xffff, v3  }
0x158: {  	v58 =	vor.u32 s17, v31;
	v3 =	vperm.xlane v41, v39;
	v39 =	vor.u32 $0x2C0, v40;
	[tilespmem:v47+s12+$0x0] =	vst.idx.msk $0xffff, v8  }
0x159: {  	v29 =	vperm.xlane v41, v50;
	v46 =	vor.u32 s17, v39;
	s17 =	sor.u32 $0x10, s17;
	v47 =	vmax.f32 v10, $0.0e+00;
	[tilespmem:v54+s12+$0x0] =	vst.idx.msk $0xffff, v2  }
0x15a: {  	v45 =	vimm.s32 $0xB;
	[tilespmem:v57+s12+$0x0] =	vst.idx.msk $0xffff, v47;
	v57 =	vor.u32 s17, v20;
	v20 =	vld [tilespmem:$0x1FE70]  }
0x15b: {  	v6 =	vadd.f32 v36, v6;
	v43 =	vadd.f32 v29, v14;
	v14 =	vperm.xlane v41, v45  }
0x15c: {  	v7 =	vadd.f32 v3, v7;
	v53 =	vor.u32 s17, v40;
	v21 =	vor.u32 s17, v28;
	v28 =	vld [tilespmem:$0x1FED0]  }
0x15d: {  	v54 =	vmax.f32 v43, $0.0e+00;
	v6 =	vadd.f32 v14, v6  }
0x15e: {  	[tilespmem:v58+s12+$0x0] =	vst.idx.msk $0xffff, v54;
	v58 =	vadd.f32 v13, v63;
	v7 =	vmax.f32 v7, $0.0e+00;
	v63 =	vor.u32 s17, v24  }
0x15f: {  	[tilespmem:v37+s12+$0x0] =	vst.idx.msk $0xffff, v7;
	v6 =	vmax.f32 v6, $0.0e+00;
	v7 =	vadd.f32 v15, v20  }
0x160: {  	v27 =	vor.u32 s17, v33;
	v24 =	vadd.f32 v16, v44;
	[tilespmem:v46+s12+$0x0] =	vst.idx.msk $0xffff, v6;
	v2 =	vmax.f32 v58, $0.0e+00  }
0x161: {  	v33 =	vor.u32 s17, v34;
	[tilespmem:v53+s12+$0x0] =	vst.idx.msk $0xffff, v2;
	v2 =	vadd.f32 v22, v28;
	v7 =	vmax.f32 v7, $0.0e+00  }
0x162: {  	v34 =	vadd.f32 v25, v48;
	v36 =	vor.u32 s17, v17;
	v6 =	vmax.f32 v24, $0.0e+00;
	[tilespmem:v57+s12+$0x0] =	vst.idx.msk $0xffff, v7  }
0x163: {  	v41 =	vor.u32 s17, v19;
	v37 =	vadd.f32 v30, v11;
	v2 =	vmax.f32 v2, $0.0e+00;
	[tilespmem:v63+s12+$0x0] =	vst.idx.msk $0xffff, v6  }
0x164: {  	v45 =	vor.u32 s17, v26;
	v43 =	vadd.f32 v32, v5;
	v44 =	vmax.f32 v34, $0.0e+00;
	[tilespmem:v21+s12+$0x0] =	vst.idx.msk $0xffff, v2  }
0x165: {  	v4 =	vadd.f32 v35, v4;
	v47 =	vor.u32 s17, v31;
	v46 =	vmax.f32 v37, $0.0e+00;
	[tilespmem:v27+s12+$0x0] =	vst.idx.msk $0xffff, v44  }
0x166: {  	v0 =	vadd.f32 v23, v0;
	v48 =	vor.u32 s17, v38;
	v2 =	vmax.f32 v43, $0.0e+00;
	[tilespmem:v33+s12+$0x0] =	vst.idx.msk $0xffff, v46  }
0x167: {  	v1 =	vadd.f32 v29, v1;
	v54 =	vor.u32 s17, v39;
	v53 =	vmax.f32 v4, $0.0e+00;
	[tilespmem:v36+s12+$0x0] =	vst.idx.msk $0xffff, v2  }
.Ltmp1:
0x168: {  	v0 =	vmax.f32 v0, $0.0e+00;
	v57 =	vadd.f32 v3, v9;
	[tilespmem:v41+s12+$0x0] =	vst.idx.msk $0xffff, v53;
	(pc) =	sbr.rel @p1 .LBB2_2-.Ltmp1, $4  }
0x169: {  	v1 =	vmax.f32 v1, $0.0e+00;
	v58 =	vadd.f32 v14, v12;
	[tilespmem:v45+s12+$0x0] =	vst.idx.msk $0xffff, v0  }
0x16a: {  	v63 =	vmax.f32 v57, $0.0e+00;
	[tilespmem:v47+s12+$0x0] =	vst.idx.msk $0xffff, v1  }
0x16b: {  	v35 =	vimm.s32 $0xB;
	v44 =	vimm.s32 $0x8;
	v0 =	vmax.f32 v58, $0.0e+00;
	[tilespmem:v48+s12+$0x0] =	vst.idx.msk $0xffff, v63  }
0x16c: {  	p2 =	por $0x0, $0x0;
	s17 =	simm.s32 $0x1;
	v33 =	vimm.s32 $0x7;
	v41 =	vimm.s32 $0x5;
	v45 =	vimm.s32 $0xA;
	[tilespmem:v54+s12+$0x0] =	vst.idx.msk $0xffff, v0  }
0x16d: {  	s16 =	sadd.s32 $0x1, s16  }
0x16e: {  	p1 =	sne.s32 s16, s8  }
.Ltmp2:
0x16f: {  	_ = 	snop;
	(pc) =	sbr.rel @p1 .LBB2_1-.Ltmp2, $4  }
0x170: {  	[hbm4b:s7+s13] =	stream.strided.scatter [tilespmem:s12], [sflag:$0x3], $0x300, s14, s13, $0x38;
	[tilespmem:$0x2610] =	vst v63  }
0x171: {  	_ =	swait.ge [sflag:s15], $0x300  }
0x172: {  	[sflag:s15] =	ssyncset.done $0x0  }
0x173: {  	[sflag:s15] =	ssyncadd.s32 $0xFFFFFD00  }
0x174: {  	_ =	sfence.sel $0x180000  }
0x175: {  	[bflag:$0x0] =	sbarrier.arrive $0xFFFF  }
0x176: {  	p0 =	sne.s32 s1, $0x0;
	_ =	strace $0x90000047  }
0x177: {  	s0 =	sadd.s32 @!p0 $0x100000, s0;
	[bflag:$0x2] =	sbarrier.arrive $0xFFFF  }
0x178: {  	[sflag:s0] =	ssyncadd.tile.s32 @!p0 $0x1;
	_ =	shalt  }
.Lfunc_end2:
_tile_overlayer_lowered:
.L_overlay_start_2:
0x179: {  	(tag) =	ssettag $0x2  }
0x17a: {  	s0 =	rddreg [dreg:$0x0];
	s2 =	stileid.u32  }
0x17b: {  	s1 =	rddreg [dreg:$0x1];
	p0 =	sne.s32 s2, $0x0  }
0x17c: {  	s3 =	rddreg [dreg:$0x2];
	[bflag:$0x3] =	sbarrier.arrive $0xFFFF;
	s2 =	simm.s32 @!p0 $0x1C03  }
0x17d: {  	[timem:s3], [sflag:s2] =	dma.local @!p0 [hbm:s0], s1  }
0x17e: {  	s0 =	simm.s32 @!p0 $0x3  }
0x17f: {  	_ =	swait.ge @!p0 [sflag:s0], s1  }
0x180: {  	s1 =	ssub.s32 @!p0 $0x0, s1;
	[sflag:s0] =	ssyncset.done @!p0 $0x0  }
0x181: {  	[sflag:s0] =	ssyncadd.s32 @!p0 s1  }
0x182: {  	[bflag:$0x3] =	sbarrier.arrive $0xFFFF  }
0x183: {  	_ =	shalt  }

</sc_bundles>
